<compile_context>
chip_gen: v7x
topology: tpu7x:2x2x1
jax: 0.10.2.dev20260603
libtpu: 0.0.44.dev20260713+nightly
codegen_flags: <defaults>
</compile_context>

<pallas_src>
import functools

import numpy as np
import jax
import jax.numpy as jnp
from jax import lax
from jax.experimental import pallas as pl
from jax.experimental.pallas import tpu as pltpu
from jax.experimental.pallas import tpu_sc as plsc

_B, _S, _F = 4096, 50, 64
_SP = 64
_RATE = 0.6

_NW = 32
_RW = _B * _F // _NW
_CH = 128
_CPW = _RW // _CH
_SLAB = 4
_SLAB_ROWS = _SLAB * _CH
_NSLABS = _CPW // _SLAB

_FB = 8
_FBP = _FB // 2
_NBLK = _F // _FB
_BBLK = 2048


def _make_consts():
    with jax.default_device(jax.local_devices(backend="cpu")[0]):
        return _make_consts_impl()


def _row_of(b, f):
    return (f // 2) * (2 * _B) + b * 2 + f % 2


def _make_consts_impl():
    rk = jax.random.key(42)
    k1, k2, k3, k4 = jax.random.split(rk, 4)
    m1 = np.asarray(jax.random.uniform(k1, (_B, _S, _F)) < _RATE)
    p1 = np.asarray(
        jax.vmap(lambda k: jax.random.permutation(k, _B))(jax.random.split(k2, _F)))
    m2 = np.asarray(jax.random.uniform(k3, (_B, _S, _F)) < _RATE)
    p2 = np.asarray(
        jax.vmap(lambda k: jax.random.permutation(k, _B))(jax.random.split(k4, _F)))

    def row_idx(p):
        k = np.arange(_B * _F, dtype=np.int64)
        f2, r = k // (2 * _B), k % (2 * _B)
        b, h = r // 2, r % 2
        f = 2 * f2 + h
        src = _row_of(p[f, b].astype(np.int64), f)
        return np.ascontiguousarray(
            src.astype(np.int32).reshape(_NW, _CPW, _CH))

    def mt(m):
        t = np.transpose(m, (1, 2, 0)).astype(np.uint8)
        return np.ascontiguousarray(t.reshape(_S, _F // _FB, _FB, _B))

    return m1, mt(m1), mt(m2), row_idx(p1), row_idx(p2)


_M1, _M1T, _M2T, _I1, _I2 = _make_consts()


def _tc_pack(xt):
    def body(x_ref, o_ref):
        for fi in range(_FB):
            t = jnp.transpose(x_ref[:, fi, :], (1, 0))
            o_ref[fi // 2, :, (fi % 2) * _SP:(fi % 2) * _SP + _S] = t

    return pl.pallas_call(
        body,
        grid=(_NBLK, _B // _BBLK),
        in_specs=[pl.BlockSpec((_S, _FB, _BBLK), lambda i, j: (0, i, j))],
        out_specs=pl.BlockSpec((_FBP, _BBLK, 2 * _SP), lambda i, j: (i, j, 0)),
        out_shape=jax.ShapeDtypeStruct((_F // 2, _B, 2 * _SP), jnp.float32),
    )(xt)


def _sc_gather(xt, idx):
    mesh = plsc.VectorSubcoreMesh(core_axis_name="c", subcore_axis_name="s")

    @functools.partial(
        pl.kernel,
        out_type=jax.ShapeDtypeStruct((_B * _F, _SP), jnp.float32),
        mesh=mesh,
        scratch_types=[
            pltpu.VMEM((_CPW, _CH), jnp.int32),
            pltpu.VMEM((2, _SLAB_ROWS, _SP), jnp.float32),
            pltpu.SemaphoreType.DMA,
            pltpu.SemaphoreType.DMA,
        ],
        compiler_params=pltpu.CompilerParams(use_tc_tiling_on_sc=False),
    )
    def k(xt_hbm, i_hbm, o_hbm, iv, buf, sem_g, sem_o):
        wid = lax.axis_index("s") * 2 + lax.axis_index("c")
        pltpu.sync_copy(i_hbm.at[wid], iv)
        base = wid * _RW

        def out_slice(s):
            return o_hbm.at[pl.ds(base + s * _SLAB_ROWS, _SLAB_ROWS)]

        @pl.loop(0, _NSLABS)
        def _slab(s):
            p = s % 2

            @pl.when(s >= 2)
            def _():
                pltpu.make_async_copy(buf.at[p], out_slice(s - 2), sem_o).wait()

            cps = [
                pltpu.async_copy(
                    xt_hbm.at[iv.at[s * _SLAB + j]],
                    buf.at[p, pl.ds(j * _CH, _CH)],
                    sem_g,
                )
                for j in range(_SLAB)
            ]
            for cp in cps:
                cp.wait()
            pltpu.async_copy(buf.at[p], out_slice(s), sem_o)

        pltpu.make_async_copy(buf.at[0], out_slice(_NSLABS - 2), sem_o).wait()
        pltpu.make_async_copy(buf.at[1], out_slice(_NSLABS - 1), sem_o).wait()

    return k(xt, idx)


def _tc_select(shuf, xt, mt):
    def unpack(ref):
        lo = ref[:, :, :_S]
        hi = ref[:, :, _SP:_SP + _S]
        lo = jnp.transpose(lo, (2, 0, 1))
        hi = jnp.transpose(hi, (2, 0, 1))
        t = jnp.stack([lo, hi], axis=2)
        return t.reshape(_S, _FB, _BBLK)

    def body(s_ref, x_ref, m_ref, o_ref):
        o_ref[...] = jnp.where(m_ref[:, 0] != 0, unpack(s_ref), x_ref[...])

    spec3 = pl.BlockSpec((_S, _FB, _BBLK), lambda i, j: (0, i, j))
    spec3m = pl.BlockSpec((_S, 1, _FB, _BBLK), lambda i, j: (0, i, 0, j))
    spec2 = pl.BlockSpec((_FBP, _BBLK, 2 * _SP), lambda i, j: (i, j, 0))
    f3 = jax.ShapeDtypeStruct((_S, _F, _B), jnp.float32)
    return pl.pallas_call(
        body,
        grid=(_NBLK, _B // _BBLK),
        in_specs=[spec2, spec3, spec3m],
        out_specs=spec3,
        out_shape=f3,
    )(shuf, xt, mt)


def kernel(x):
    xt = jnp.transpose(x, (1, 2, 0))
    tbl = _tc_pack(xt)
    tbl2 = tbl.reshape(_B * _F, _SP)
    s1 = _sc_gather(tbl2, _I1)
    s2 = _sc_gather(tbl2, _I2)
    o1t = _tc_select(s1.reshape(_F // 2, _B, 2 * _SP), xt, _M1T)
    o2t = _tc_select(s2.reshape(_F // 2, _B, 2 * _SP), xt, _M2T)
    corrupted = jnp.transpose(o1t, (2, 0, 1))
    positive = jnp.transpose(o2t, (2, 0, 1))
    return corrupted, positive, jnp.asarray(_M1), x

# --- scband reference (transcript-rebuilt; emitter-appended) ---
"""Pipeline reference for scband-scarfcorruption-46892452938437 (READ-ONLY COPY).

The authoritative reference and input builder live on the scoring server;
editing this copy changes nothing except your own understanding.
"""

import jax, jax.numpy as jnp
import numpy as np

CORRUPTION_RATE = 0.6


def setup_inputs(seed: int = 0) -> dict:
    key = jax.random.key(seed)
    x = jax.random.normal(key, (4096, 50, 64), dtype=jnp.float32)
    return {"x": x}


def _apply_corruption(x, mask, perms):
    # x: [B, S, F]; mask: [B, S, F] bool; perms: [F, B] int32 (one batch-permutation per feature)
    g = jnp.transpose(x, (2, 0, 1))                                # [F, B, S]
    shuffled = jnp.take_along_axis(g, perms[:, :, None], axis=1)   # [F, B, S] : row i of feature f comes from row perms[f, i]
    shuffled = jnp.transpose(shuffled, (1, 2, 0))                  # [B, S, F]
    return jnp.where(mask, shuffled, x)


def reference(x):
    B, S, F = x.shape
    rk = jax.random.key(42)
    k1, k2, k3, k4 = jax.random.split(rk, 4)
    # corrupted view: per-feature Bernoulli(rate) mask + per-feature batch shuffle
    mask = jax.random.uniform(k1, (B, S, F)) < CORRUPTION_RATE
    perms1 = jax.vmap(lambda k: jax.random.permutation(k, B))(jax.random.split(k2, F))  # [F, B]
    corrupted = _apply_corruption(x, mask, perms1)
    # positive view: independent mask + independent per-feature batch shuffle
    positive_mask = jax.random.uniform(k3, (B, S, F)) < CORRUPTION_RATE
    perms2 = jax.vmap(lambda k: jax.random.permutation(k, B))(jax.random.split(k4, F))  # [F, B]
    positive = _apply_corruption(x, positive_mask, perms2)
    # torch module returns a dict {corrupted, positive, mask, original}; return as tuple
    return corrupted, positive, mask, x

if __name__ == "__main__":
    import jax
    _d = setup_inputs()
    print(jax.jit(kernel)(*tuple(_d.values())))

</pallas_src>

<mosaic_0001>
#map = affine_map<(d0, d1) -> (0, 0)>
#map1 = affine_map<(d0, d1) -> (0, 0, 0)>
module attributes {stable_mosaic.version = 14 : i64} {
  func.func @k(%arg0: i32, %arg1: i32, %arg2: memref<262144x64xf32, #tpu.memory_space<hbm>>, %arg3: memref<32x64x128xi32, #tpu.memory_space<hbm>>, %arg4: memref<262144x64xf32, #tpu.memory_space<hbm>>, %arg5: memref<64x128xi32, #tpu.memory_space<vmem>>, %arg6: memref<2x512x64xf32, #tpu.memory_space<vmem>>, %arg7: memref<!tpu.dma_semaphore, #tpu.memory_space<semaphore_mem>>, %arg8: memref<!tpu.dma_semaphore, #tpu.memory_space<semaphore_mem>>) attributes {dimension_semantics = [#tpu.dimension_semantics<core_parallel>, #tpu.dimension_semantics<subcore_parallel>], iteration_bounds = array<i64: 2, 16>, scalar_prefetch = 0 : i64, scratch_operands = 4 : i64, tpu.core_type = #tpu.core_type<sc_vector_subcore>, window_params = [{transform_indices = #map}, {transform_indices = #map1}, {transform_indices = #map}]} {
    %mul3A = arith.constant 2 : i32
    %mul3A_0 = arith.muli %arg1, %mul3A : i32
    %add3A = arith.addi %mul3A_0, %arg0 : i32
    "tpu.region"() ({
      %run_scoped3A = tpu.sem_alloc : memref<!tpu.dma_semaphore, #tpu.memory_space<semaphore_mem>>
      %dma_start3A = arith.constant 0 : i32
      %dma_start3A_36 = arith.constant 0 : i32
      %dma_start3A_37 = tpu.memref_slice %arg3[%add3A, %dma_start3A, %dma_start3A_36] : memref<32x64x128xi32, #tpu.memory_space<hbm>> -> memref<1x64x128xi32, #tpu.memory_space<hbm>>
      %dma_start3A_38 = tpu.memref_squeeze %dma_start3A_37 : memref<1x64x128xi32, #tpu.memory_space<hbm>> -> memref<64x128xi32, #tpu.memory_space<hbm>>
      %dma_start3A_39 = arith.constant 0 : i32
      %dma_start3A_40 = arith.constant 0 : i32
      %dma_start3A_41 = tpu.memref_slice %arg3[%add3A, %dma_start3A_39, %dma_start3A_40] : memref<32x64x128xi32, #tpu.memory_space<hbm>> -> memref<1x64x128xi32, #tpu.memory_space<hbm>>
      %dma_start3A_42 = tpu.memref_squeeze %dma_start3A_41 : memref<1x64x128xi32, #tpu.memory_space<hbm>> -> memref<64x128xi32, #tpu.memory_space<hbm>>
      tpu.enqueue_dma source(%dma_start3A_42 : memref<64x128xi32, #tpu.memory_space<hbm>>) target(%arg5 : memref<64x128xi32, #tpu.memory_space<vmem>>) target_semaphore(%run_scoped3A : memref<!tpu.dma_semaphore, #tpu.memory_space<semaphore_mem>>)
      %dma_wait3A_43 = arith.constant 0 : i32
      %dma_wait3A_44 = arith.constant 0 : i32
      %dma_wait3A_45 = tpu.memref_slice %arg3[%add3A, %dma_wait3A_43, %dma_wait3A_44] : memref<32x64x128xi32, #tpu.memory_space<hbm>> -> memref<1x64x128xi32, #tpu.memory_space<hbm>>
      %dma_wait3A_46 = tpu.memref_squeeze %dma_wait3A_45 : memref<1x64x128xi32, #tpu.memory_space<hbm>> -> memref<64x128xi32, #tpu.memory_space<hbm>>
      %dma_wait3A_47 = arith.constant 0 : i32
      %dma_wait3A_48 = arith.constant 0 : i32
      %dma_wait3A_49 = tpu.memref_slice %arg3[%add3A, %dma_wait3A_47, %dma_wait3A_48] : memref<32x64x128xi32, #tpu.memory_space<hbm>> -> memref<1x64x128xi32, #tpu.memory_space<hbm>>
      %dma_wait3A_50 = tpu.memref_squeeze %dma_wait3A_49 : memref<1x64x128xi32, #tpu.memory_space<hbm>> -> memref<64x128xi32, #tpu.memory_space<hbm>>
      tpu.wait_dma2 semaphore(%run_scoped3A : memref<!tpu.dma_semaphore, #tpu.memory_space<semaphore_mem>>) src(%dma_wait3A_50 : memref<64x128xi32, #tpu.memory_space<hbm>>) dst(%arg5 : memref<64x128xi32, #tpu.memory_space<vmem>>)
      tpu.yield
    }) : () -> ()
    %mul3A_1 = arith.constant 8192 : i32
    %mul3A_2 = arith.muli %add3A, %mul3A_1 : i32
    %scan3A = arith.constant 0 : i32
    %scan3A_3 = arith.constant 16 : i32
    %scan3A_4 = arith.addi %scan3A, %scan3A_3 : i32
    %scan3A_5 = arith.constant 1 : i32
    scf.for %scan3A_36 = %scan3A to %scan3A_4 step %scan3A_5  : i32 {
      %mul3A_37 = arith.constant 1 : i32
      %mul3A_38 = arith.muli %scan3A_36, %mul3A_37 : i32
      %add3A_39 = arith.constant 0 : i32
      %add3A_40 = arith.addi %add3A_39, %mul3A_38 : i32
      %jit3A = arith.constant 2 : i32
      %eq3A = arith.constant 0 : i32
      %eq3A_41 = arith.cmpi eq, %jit3A, %eq3A : i32
      %jit3A_42 = arith.constant 1 : i32
      %select_n3A = arith.select %eq3A_41, %jit3A_42, %jit3A : i32
      %rem3A = arith.remsi %add3A_40, %select_n3A : i32
      %ne3A = arith.constant 0 : i32
      %ne3A_43 = arith.cmpi ne, %rem3A, %ne3A : i32
      %lt3A = arith.constant 0 : i32
      %lt3A_44 = arith.cmpi slt, %rem3A, %lt3A : i32
      %lt3A_45 = arith.constant 0 : i32
      %lt3A_46 = arith.cmpi slt, %select_n3A, %lt3A_45 : i32
      %ne3A_47 = arith.xori %lt3A_44, %lt3A_46 : i1
      %and3A = arith.andi %ne3A_47, %ne3A_43 : i1
      %add3A_48 = arith.addi %rem3A, %select_n3A : i32
      %select_n3A_49 = arith.select %and3A, %add3A_48, %rem3A : i32
      %ge3A = arith.constant 2 : i32
      %ge3A_50 = arith.cmpi sge, %add3A_40, %ge3A : i32
      %convert_element_type3A = arith.extui %ge3A_50 : i1 to i32
      %cond3A = arith.constant 0 : i32
      %cond3A_51 = arith.cmpi ne, %convert_element_type3A, %cond3A : i32
      scf.if %cond3A_51 {
        %sub3A = arith.constant 2 : i32
        %sub3A_162 = arith.subi %add3A_40, %sub3A : i32
        %mul3A_163 = arith.constant 512 : i32
        %mul3A_164 = arith.muli %sub3A_162, %mul3A_163 : i32
        %add3A_165 = arith.addi %mul3A_2, %mul3A_164 : i32
        %dma_wait3A_166 = arith.constant 0 : i32
        %dma_wait3A_167 = arith.constant 0 : i32
        %dma_wait3A_168 = tpu.memref_slice %arg6[%select_n3A_49, %dma_wait3A_166, %dma_wait3A_167] : memref<2x512x64xf32, #tpu.memory_space<vmem>> -> memref<1x512x64xf32, #tpu.memory_space<vmem>>
        %dma_wait3A_169 = tpu.memref_squeeze %dma_wait3A_168 : memref<1x512x64xf32, #tpu.memory_space<vmem>> -> memref<512x64xf32, #tpu.memory_space<vmem>>
        %dma_wait3A_170 = arith.constant 0 : i32
        %dma_wait3A_171 = tpu.memref_slice %arg4[%add3A_165, %dma_wait3A_170] : memref<262144x64xf32, #tpu.memory_space<hbm>> -> memref<512x64xf32, #tpu.memory_space<hbm>>
        %dma_wait3A_172 = arith.constant 0 : i32
        %dma_wait3A_173 = tpu.memref_slice %arg4[%add3A_165, %dma_wait3A_172] : memref<262144x64xf32, #tpu.memory_space<hbm>> -> memref<512x64xf32, #tpu.memory_space<hbm>>
        %dma_wait3A_174 = arith.constant 0 : i32
        %dma_wait3A_175 = arith.constant 0 : i32
        %dma_wait3A_176 = tpu.memref_slice %arg6[%select_n3A_49, %dma_wait3A_174, %dma_wait3A_175] : memref<2x512x64xf32, #tpu.memory_space<vmem>> -> memref<1x512x64xf32, #tpu.memory_space<vmem>>
        %dma_wait3A_177 = tpu.memref_squeeze %dma_wait3A_176 : memref<1x512x64xf32, #tpu.memory_space<vmem>> -> memref<512x64xf32, #tpu.memory_space<vmem>>
        tpu.wait_dma2 semaphore(%arg8 : memref<!tpu.dma_semaphore, #tpu.memory_space<semaphore_mem>>) src(%dma_wait3A_177 : memref<512x64xf32, #tpu.memory_space<vmem>>) dst(%dma_wait3A_173 : memref<512x64xf32, #tpu.memory_space<hbm>>)
      } else {
      }
      %mul3A_52 = arith.constant 4 : i32
      %mul3A_53 = arith.muli %add3A_40, %mul3A_52 : i32
      %add3A_54 = arith.constant 0 : i32
      %add3A_55 = arith.addi %mul3A_53, %add3A_54 : i32
      %dma_start3A = arith.constant 0 : i32
      %dma_start3A_56 = arith.constant 0 : i32
      %dma_start3A_57 = tpu.memref_slice %arg6[%select_n3A_49, %dma_start3A, %dma_start3A_56] : memref<2x512x64xf32, #tpu.memory_space<vmem>> -> memref<1x128x64xf32, #tpu.memory_space<vmem>>
      %dma_start3A_58 = tpu.memref_squeeze %dma_start3A_57 : memref<1x128x64xf32, #tpu.memory_space<vmem>> -> memref<128x64xf32, #tpu.memory_space<vmem>>
      %dma_start3A_59 = arith.constant 0 : i32
      %dma_start3A_60 = tpu.memref_slice %arg5[%add3A_55, %dma_start3A_59] : memref<64x128xi32, #tpu.memory_space<vmem>> -> memref<1x128xi32, #tpu.memory_space<vmem>>
      %dma_start3A_61 = tpu.memref_squeeze %dma_start3A_60 : memref<1x128xi32, #tpu.memory_space<vmem>> -> memref<128xi32, #tpu.memory_space<vmem>>
      %dma_start3A_62 = arith.constant 0 : i32
      %dma_start3A_63 = arith.constant 0 : i32
      %dma_start3A_64 = tpu.memref_slice %arg2[%dma_start3A_62, %dma_start3A_63] : memref<262144x64xf32, #tpu.memory_space<hbm>> -> memref<262144x64xf32, #tpu.memory_space<hbm>>
      tpu.enqueue_indirect_dma source(%dma_start3A_64 : memref<262144x64xf32, #tpu.memory_space<hbm>>) target(%dma_start3A_58 : memref<128x64xf32, #tpu.memory_space<vmem>>) offsets(%dma_start3A_61 : memref<128xi32, #tpu.memory_space<vmem>>) semaphore(%arg7 : memref<!tpu.dma_semaphore, #tpu.memory_space<semaphore_mem>>)
      %mul3A_65 = arith.constant 4 : i32
      %mul3A_66 = arith.muli %add3A_40, %mul3A_65 : i32
      %add3A_67 = arith.constant 1 : i32
      %add3A_68 = arith.addi %mul3A_66, %add3A_67 : i32
      %dma_start3A_69 = arith.constant 128 : i32
      %dma_start3A_70 = arith.constant 0 : i32
      %dma_start3A_71 = tpu.memref_slice %arg6[%select_n3A_49, %dma_start3A_69, %dma_start3A_70] : memref<2x512x64xf32, #tpu.memory_space<vmem>> -> memref<1x128x64xf32, #tpu.memory_space<vmem>>
      %dma_start3A_72 = tpu.memref_squeeze %dma_start3A_71 : memref<1x128x64xf32, #tpu.memory_space<vmem>> -> memref<128x64xf32, #tpu.memory_space<vmem>>
      %dma_start3A_73 = arith.constant 0 : i32
      %dma_start3A_74 = tpu.memref_slice %arg5[%add3A_68, %dma_start3A_73] : memref<64x128xi32, #tpu.memory_space<vmem>> -> memref<1x128xi32, #tpu.memory_space<vmem>>
      %dma_start3A_75 = tpu.memref_squeeze %dma_start3A_74 : memref<1x128xi32, #tpu.memory_space<vmem>> -> memref<128xi32, #tpu.memory_space<vmem>>
      %dma_start3A_76 = arith.constant 0 : i32
      %dma_start3A_77 = arith.constant 0 : i32
      %dma_start3A_78 = tpu.memref_slice %arg2[%dma_start3A_76, %dma_start3A_77] : memref<262144x64xf32, #tpu.memory_space<hbm>> -> memref<262144x64xf32, #tpu.memory_space<hbm>>
      tpu.enqueue_indirect_dma source(%dma_start3A_78 : memref<262144x64xf32, #tpu.memory_space<hbm>>) target(%dma_start3A_72 : memref<128x64xf32, #tpu.memory_space<vmem>>) offsets(%dma_start3A_75 : memref<128xi32, #tpu.memory_space<vmem>>) semaphore(%arg7 : memref<!tpu.dma_semaphore, #tpu.memory_space<semaphore_mem>>)
      %mul3A_79 = arith.constant 4 : i32
      %mul3A_80 = arith.muli %add3A_40, %mul3A_79 : i32
      %add3A_81 = arith.constant 2 : i32
      %add3A_82 = arith.addi %mul3A_80, %add3A_81 : i32
      %dma_start3A_83 = arith.constant 256 : i32
      %dma_start3A_84 = arith.constant 0 : i32
      %dma_start3A_85 = tpu.memref_slice %arg6[%select_n3A_49, %dma_start3A_83, %dma_start3A_84] : memref<2x512x64xf32, #tpu.memory_space<vmem>> -> memref<1x128x64xf32, #tpu.memory_space<vmem>>
      %dma_start3A_86 = tpu.memref_squeeze %dma_start3A_85 : memref<1x128x64xf32, #tpu.memory_space<vmem>> -> memref<128x64xf32, #tpu.memory_space<vmem>>
      %dma_start3A_87 = arith.constant 0 : i32
      %dma_start3A_88 = tpu.memref_slice %arg5[%add3A_82, %dma_start3A_87] : memref<64x128xi32, #tpu.memory_space<vmem>> -> memref<1x128xi32, #tpu.memory_space<vmem>>
      %dma_start3A_89 = tpu.memref_squeeze %dma_start3A_88 : memref<1x128xi32, #tpu.memory_space<vmem>> -> memref<128xi32, #tpu.memory_space<vmem>>
      %dma_start3A_90 = arith.constant 0 : i32
      %dma_start3A_91 = arith.constant 0 : i32
      %dma_start3A_92 = tpu.memref_slice %arg2[%dma_start3A_90, %dma_start3A_91] : memref<262144x64xf32, #tpu.memory_space<hbm>> -> memref<262144x64xf32, #tpu.memory_space<hbm>>
      tpu.enqueue_indirect_dma source(%dma_start3A_92 : memref<262144x64xf32, #tpu.memory_space<hbm>>) target(%dma_start3A_86 : memref<128x64xf32, #tpu.memory_space<vmem>>) offsets(%dma_start3A_89 : memref<128xi32, #tpu.memory_space<vmem>>) semaphore(%arg7 : memref<!tpu.dma_semaphore, #tpu.memory_space<semaphore_mem>>)
      %mul3A_93 = arith.constant 4 : i32
      %mul3A_94 = arith.muli %add3A_40, %mul3A_93 : i32
      %add3A_95 = arith.constant 3 : i32
      %add3A_96 = arith.addi %mul3A_94, %add3A_95 : i32
      %dma_start3A_97 = arith.constant 384 : i32
      %dma_start3A_98 = arith.constant 0 : i32
      %dma_start3A_99 = tpu.memref_slice %arg6[%select_n3A_49, %dma_start3A_97, %dma_start3A_98] : memref<2x512x64xf32, #tpu.memory_space<vmem>> -> memref<1x128x64xf32, #tpu.memory_space<vmem>>
      %dma_start3A_100 = tpu.memref_squeeze %dma_start3A_99 : memref<1x128x64xf32, #tpu.memory_space<vmem>> -> memref<128x64xf32, #tpu.memory_space<vmem>>
      %dma_start3A_101 = arith.constant 0 : i32
      %dma_start3A_102 = tpu.memref_slice %arg5[%add3A_96, %dma_start3A_101] : memref<64x128xi32, #tpu.memory_space<vmem>> -> memref<1x128xi32, #tpu.memory_space<vmem>>
      %dma_start3A_103 = tpu.memref_squeeze %dma_start3A_102 : memref<1x128xi32, #tpu.memory_space<vmem>> -> memref<128xi32, #tpu.memory_space<vmem>>
      %dma_start3A_104 = arith.constant 0 : i32
      %dma_start3A_105 = arith.constant 0 : i32
      %dma_start3A_106 = tpu.memref_slice %arg2[%dma_start3A_104, %dma_start3A_105] : memref<262144x64xf32, #tpu.memory_space<hbm>> -> memref<262144x64xf32, #tpu.memory_space<hbm>>
      tpu.enqueue_indirect_dma source(%dma_start3A_106 : memref<262144x64xf32, #tpu.memory_space<hbm>>) target(%dma_start3A_100 : memref<128x64xf32, #tpu.memory_space<vmem>>) offsets(%dma_start3A_103 : memref<128xi32, #tpu.memory_space<vmem>>) semaphore(%arg7 : memref<!tpu.dma_semaphore, #tpu.memory_space<semaphore_mem>>)
      %dma_wait3A_107 = arith.constant 0 : i32
      %dma_wait3A_108 = arith.constant 0 : i32
      %dma_wait3A_109 = tpu.memref_slice %arg6[%select_n3A_49, %dma_wait3A_107, %dma_wait3A_108] : memref<2x512x64xf32, #tpu.memory_space<vmem>> -> memref<1x128x64xf32, #tpu.memory_space<vmem>>
      %dma_wait3A_110 = tpu.memref_squeeze %dma_wait3A_109 : memref<1x128x64xf32, #tpu.memory_space<vmem>> -> memref<128x64xf32, #tpu.memory_space<vmem>>
      %dma_wait3A_111 = arith.constant 0 : i32
      %dma_wait3A_112 = tpu.memref_slice %arg5[%add3A_55, %dma_wait3A_111] : memref<64x128xi32, #tpu.memory_space<vmem>> -> memref<1x128xi32, #tpu.memory_space<vmem>>
      %dma_wait3A_113 = tpu.memref_squeeze %dma_wait3A_112 : memref<1x128xi32, #tpu.memory_space<vmem>> -> memref<128xi32, #tpu.memory_space<vmem>>
      %dma_wait3A_114 = arith.constant 0 : i32
      %dma_wait3A_115 = arith.constant 0 : i32
      %dma_wait3A_116 = tpu.memref_slice %arg2[%dma_wait3A_114, %dma_wait3A_115] : memref<262144x64xf32, #tpu.memory_space<hbm>> -> memref<262144x64xf32, #tpu.memory_space<hbm>>
      tpu.wait_indirect_dma semaphore(%arg7 : memref<!tpu.dma_semaphore, #tpu.memory_space<semaphore_mem>>) src(%dma_wait3A_116 : memref<262144x64xf32, #tpu.memory_space<hbm>>) dst(%dma_wait3A_110 : memref<128x64xf32, #tpu.memory_space<vmem>>)
      %dma_wait3A_117 = arith.constant 128 : i32
      %dma_wait3A_118 = arith.constant 0 : i32
      %dma_wait3A_119 = tpu.memref_slice %arg6[%select_n3A_49, %dma_wait3A_117, %dma_wait3A_118] : memref<2x512x64xf32, #tpu.memory_space<vmem>> -> memref<1x128x64xf32, #tpu.memory_space<vmem>>
      %dma_wait3A_120 = tpu.memref_squeeze %dma_wait3A_119 : memref<1x128x64xf32, #tpu.memory_space<vmem>> -> memref<128x64xf32, #tpu.memory_space<vmem>>
      %dma_wait3A_121 = arith.constant 0 : i32
      %dma_wait3A_122 = tpu.memref_slice %arg5[%add3A_68, %dma_wait3A_121] : memref<64x128xi32, #tpu.memory_space<vmem>> -> memref<1x128xi32, #tpu.memory_space<vmem>>
      %dma_wait3A_123 = tpu.memref_squeeze %dma_wait3A_122 : memref<1x128xi32, #tpu.memory_space<vmem>> -> memref<128xi32, #tpu.memory_space<vmem>>
      %dma_wait3A_124 = arith.constant 0 : i32
      %dma_wait3A_125 = arith.constant 0 : i32
      %dma_wait3A_126 = tpu.memref_slice %arg2[%dma_wait3A_124, %dma_wait3A_125] : memref<262144x64xf32, #tpu.memory_space<hbm>> -> memref<262144x64xf32, #tpu.memory_space<hbm>>
      tpu.wait_indirect_dma semaphore(%arg7 : memref<!tpu.dma_semaphore, #tpu.memory_space<semaphore_mem>>) src(%dma_wait3A_126 : memref<262144x64xf32, #tpu.memory_space<hbm>>) dst(%dma_wait3A_120 : memref<128x64xf32, #tpu.memory_space<vmem>>)
      %dma_wait3A_127 = arith.constant 256 : i32
      %dma_wait3A_128 = arith.constant 0 : i32
      %dma_wait3A_129 = tpu.memref_slice %arg6[%select_n3A_49, %dma_wait3A_127, %dma_wait3A_128] : memref<2x512x64xf32, #tpu.memory_space<vmem>> -> memref<1x128x64xf32, #tpu.memory_space<vmem>>
      %dma_wait3A_130 = tpu.memref_squeeze %dma_wait3A_129 : memref<1x128x64xf32, #tpu.memory_space<vmem>> -> memref<128x64xf32, #tpu.memory_space<vmem>>
      %dma_wait3A_131 = arith.constant 0 : i32
      %dma_wait3A_132 = tpu.memref_slice %arg5[%add3A_82, %dma_wait3A_131] : memref<64x128xi32, #tpu.memory_space<vmem>> -> memref<1x128xi32, #tpu.memory_space<vmem>>
      %dma_wait3A_133 = tpu.memref_squeeze %dma_wait3A_132 : memref<1x128xi32, #tpu.memory_space<vmem>> -> memref<128xi32, #tpu.memory_space<vmem>>
      %dma_wait3A_134 = arith.constant 0 : i32
      %dma_wait3A_135 = arith.constant 0 : i32
      %dma_wait3A_136 = tpu.memref_slice %arg2[%dma_wait3A_134, %dma_wait3A_135] : memref<262144x64xf32, #tpu.memory_space<hbm>> -> memref<262144x64xf32, #tpu.memory_space<hbm>>
      tpu.wait_indirect_dma semaphore(%arg7 : memref<!tpu.dma_semaphore, #tpu.memory_space<semaphore_mem>>) src(%dma_wait3A_136 : memref<262144x64xf32, #tpu.memory_space<hbm>>) dst(%dma_wait3A_130 : memref<128x64xf32, #tpu.memory_space<vmem>>)
      %dma_wait3A_137 = arith.constant 384 : i32
      %dma_wait3A_138 = arith.constant 0 : i32
      %dma_wait3A_139 = tpu.memref_slice %arg6[%select_n3A_49, %dma_wait3A_137, %dma_wait3A_138] : memref<2x512x64xf32, #tpu.memory_space<vmem>> -> memref<1x128x64xf32, #tpu.memory_space<vmem>>
      %dma_wait3A_140 = tpu.memref_squeeze %dma_wait3A_139 : memref<1x128x64xf32, #tpu.memory_space<vmem>> -> memref<128x64xf32, #tpu.memory_space<vmem>>
      %dma_wait3A_141 = arith.constant 0 : i32
      %dma_wait3A_142 = tpu.memref_slice %arg5[%add3A_96, %dma_wait3A_141] : memref<64x128xi32, #tpu.memory_space<vmem>> -> memref<1x128xi32, #tpu.memory_space<vmem>>
      %dma_wait3A_143 = tpu.memref_squeeze %dma_wait3A_142 : memref<1x128xi32, #tpu.memory_space<vmem>> -> memref<128xi32, #tpu.memory_space<vmem>>
      %dma_wait3A_144 = arith.constant 0 : i32
      %dma_wait3A_145 = arith.constant 0 : i32
      %dma_wait3A_146 = tpu.memref_slice %arg2[%dma_wait3A_144, %dma_wait3A_145] : memref<262144x64xf32, #tpu.memory_space<hbm>> -> memref<262144x64xf32, #tpu.memory_space<hbm>>
      tpu.wait_indirect_dma semaphore(%arg7 : memref<!tpu.dma_semaphore, #tpu.memory_space<semaphore_mem>>) src(%dma_wait3A_146 : memref<262144x64xf32, #tpu.memory_space<hbm>>) dst(%dma_wait3A_140 : memref<128x64xf32, #tpu.memory_space<vmem>>)
      %mul3A_147 = arith.constant 512 : i32
      %mul3A_148 = arith.muli %add3A_40, %mul3A_147 : i32
      %add3A_149 = arith.addi %mul3A_2, %mul3A_148 : i32
      %dma_start3A_150 = arith.constant 0 : i32
      %dma_start3A_151 = arith.constant 0 : i32
      %dma_start3A_152 = tpu.memref_slice %arg6[%select_n3A_49, %dma_start3A_150, %dma_start3A_151] : memref<2x512x64xf32, #tpu.memory_space<vmem>> -> memref<1x512x64xf32, #tpu.memory_space<vmem>>
      %dma_start3A_153 = tpu.memref_squeeze %dma_start3A_152 : memref<1x512x64xf32, #tpu.memory_space<vmem>> -> memref<512x64xf32, #tpu.memory_space<vmem>>
      %dma_start3A_154 = arith.constant 0 : i32
      %dma_start3A_155 = tpu.memref_slice %arg4[%add3A_149, %dma_start3A_154] : memref<262144x64xf32, #tpu.memory_space<hbm>> -> memref<512x64xf32, #tpu.memory_space<hbm>>
      %dma_start3A_156 = arith.constant 0 : i32
      %dma_start3A_157 = tpu.memref_slice %arg4[%add3A_149, %dma_start3A_156] : memref<262144x64xf32, #tpu.memory_space<hbm>> -> memref<512x64xf32, #tpu.memory_space<hbm>>
      %dma_start3A_158 = arith.constant 0 : i32
      %dma_start3A_159 = arith.constant 0 : i32
      %dma_start3A_160 = tpu.memref_slice %arg6[%select_n3A_49, %dma_start3A_158, %dma_start3A_159] : memref<2x512x64xf32, #tpu.memory_space<vmem>> -> memref<1x512x64xf32, #tpu.memory_space<vmem>>
      %dma_start3A_161 = tpu.memref_squeeze %dma_start3A_160 : memref<1x512x64xf32, #tpu.memory_space<vmem>> -> memref<512x64xf32, #tpu.memory_space<vmem>>
      tpu.enqueue_dma source(%dma_start3A_161 : memref<512x64xf32, #tpu.memory_space<vmem>>) target(%dma_start3A_157 : memref<512x64xf32, #tpu.memory_space<hbm>>) target_semaphore(%arg8 : memref<!tpu.dma_semaphore, #tpu.memory_space<semaphore_mem>>)
    }
    %scan3A_6 = arith.constant 16 : i32
    %add3A_7 = arith.constant 7168 : i32
    %add3A_8 = arith.addi %mul3A_2, %add3A_7 : i32
    %dma_wait3A = arith.constant 0 : i32
    %dma_wait3A_9 = arith.constant 0 : i32
    %dma_wait3A_10 = arith.constant 0 : i32
    %dma_wait3A_11 = tpu.memref_slice %arg6[%dma_wait3A, %dma_wait3A_9, %dma_wait3A_10] : memref<2x512x64xf32, #tpu.memory_space<vmem>> -> memref<1x512x64xf32, #tpu.memory_space<vmem>>
    %dma_wait3A_12 = tpu.memref_squeeze %dma_wait3A_11 : memref<1x512x64xf32, #tpu.memory_space<vmem>> -> memref<512x64xf32, #tpu.memory_space<vmem>>
    %dma_wait3A_13 = arith.constant 0 : i32
    %dma_wait3A_14 = tpu.memref_slice %arg4[%add3A_8, %dma_wait3A_13] : memref<262144x64xf32, #tpu.memory_space<hbm>> -> memref<512x64xf32, #tpu.memory_space<hbm>>
    %dma_wait3A_15 = arith.constant 0 : i32
    %dma_wait3A_16 = tpu.memref_slice %arg4[%add3A_8, %dma_wait3A_15] : memref<262144x64xf32, #tpu.memory_space<hbm>> -> memref<512x64xf32, #tpu.memory_space<hbm>>
    %dma_wait3A_17 = arith.constant 0 : i32
    %dma_wait3A_18 = arith.constant 0 : i32
    %dma_wait3A_19 = tpu.memref_slice %arg6[%dma_wait3A, %dma_wait3A_17, %dma_wait3A_18] : memref<2x512x64xf32, #tpu.memory_space<vmem>> -> memref<1x512x64xf32, #tpu.memory_space<vmem>>
    %dma_wait3A_20 = tpu.memref_squeeze %dma_wait3A_19 : memref<1x512x64xf32, #tpu.memory_space<vmem>> -> memref<512x64xf32, #tpu.memory_space<vmem>>
    tpu.wait_dma2 semaphore(%arg8 : memref<!tpu.dma_semaphore, #tpu.memory_space<semaphore_mem>>) src(%dma_wait3A_20 : memref<512x64xf32, #tpu.memory_space<vmem>>) dst(%dma_wait3A_16 : memref<512x64xf32, #tpu.memory_space<hbm>>)
    %add3A_21 = arith.constant 7680 : i32
    %add3A_22 = arith.addi %mul3A_2, %add3A_21 : i32
    %dma_wait3A_23 = arith.constant 1 : i32
    %dma_wait3A_24 = arith.constant 0 : i32
    %dma_wait3A_25 = arith.constant 0 : i32
    %dma_wait3A_26 = tpu.memref_slice %arg6[%dma_wait3A_23, %dma_wait3A_24, %dma_wait3A_25] : memref<2x512x64xf32, #tpu.memory_space<vmem>> -> memref<1x512x64xf32, #tpu.memory_space<vmem>>
    %dma_wait3A_27 = tpu.memref_squeeze %dma_wait3A_26 : memref<1x512x64xf32, #tpu.memory_space<vmem>> -> memref<512x64xf32, #tpu.memory_space<vmem>>
    %dma_wait3A_28 = arith.constant 0 : i32
    %dma_wait3A_29 = tpu.memref_slice %arg4[%add3A_22, %dma_wait3A_28] : memref<262144x64xf32, #tpu.memory_space<hbm>> -> memref<512x64xf32, #tpu.memory_space<hbm>>
    %dma_wait3A_30 = arith.constant 0 : i32
    %dma_wait3A_31 = tpu.memref_slice %arg4[%add3A_22, %dma_wait3A_30] : memref<262144x64xf32, #tpu.memory_space<hbm>> -> memref<512x64xf32, #tpu.memory_space<hbm>>
    %dma_wait3A_32 = arith.constant 0 : i32
    %dma_wait3A_33 = arith.constant 0 : i32
    %dma_wait3A_34 = tpu.memref_slice %arg6[%dma_wait3A_23, %dma_wait3A_32, %dma_wait3A_33] : memref<2x512x64xf32, #tpu.memory_space<vmem>> -> memref<1x512x64xf32, #tpu.memory_space<vmem>>
    %dma_wait3A_35 = tpu.memref_squeeze %dma_wait3A_34 : memref<1x512x64xf32, #tpu.memory_space<vmem>> -> memref<512x64xf32, #tpu.memory_space<vmem>>
    tpu.wait_dma2 semaphore(%arg8 : memref<!tpu.dma_semaphore, #tpu.memory_space<semaphore_mem>>) src(%dma_wait3A_35 : memref<512x64xf32, #tpu.memory_space<vmem>>) dst(%dma_wait3A_31 : memref<512x64xf32, #tpu.memory_space<hbm>>)
    return
  }
}

#map = affine_map<(d0, d1) -> (0, 0)>
#map1 = affine_map<(d0, d1) -> (0, 0, 0)>
module attributes {stable_mosaic.version = 14 : i64} {
  func.func @k(%arg0: i32, %arg1: i32, %arg2: memref<262144x64xf32, #tpu.memory_space<hbm>>, %arg3: memref<32x64x128xi32, #tpu.memory_space<hbm>>, %arg4: memref<262144x64xf32, #tpu.memory_space<hbm>>, %arg5: memref<64x128xi32, #tpu.memory_space<vmem>>, %arg6: memref<2x512x64xf32, #tpu.memory_space<vmem>>, %arg7: memref<!tpu.dma_semaphore, #tpu.memory_space<semaphore_mem>>, %arg8: memref<!tpu.dma_semaphore, #tpu.memory_space<semaphore_mem>>) attributes {dimension_semantics = [#tpu.dimension_semantics<core_parallel>, #tpu.dimension_semantics<subcore_parallel>], iteration_bounds = array<i64: 2, 16>, scalar_prefetch = 0 : i64, scratch_operands = 4 : i64, tpu.core_type = #tpu.core_type<sc_vector_subcore>, window_params = [{transform_indices = #map}, {transform_indices = #map1}, {transform_indices = #map}]} {
    %mul3A = arith.constant 2 : i32
    %mul3A_0 = arith.muli %arg1, %mul3A : i32
    %add3A = arith.addi %mul3A_0, %arg0 : i32
    "tpu.region"() ({
      %run_scoped3A = tpu.sem_alloc : memref<!tpu.dma_semaphore, #tpu.memory_space<semaphore_mem>>
      %dma_start3A = arith.constant 0 : i32
      %dma_start3A_36 = arith.constant 0 : i32
      %dma_start3A_37 = tpu.memref_slice %arg3[%add3A, %dma_start3A, %dma_start3A_36] : memref<32x64x128xi32, #tpu.memory_space<hbm>> -> memref<1x64x128xi32, #tpu.memory_space<hbm>>
      %dma_start3A_38 = tpu.memref_squeeze %dma_start3A_37 : memref<1x64x128xi32, #tpu.memory_space<hbm>> -> memref<64x128xi32, #tpu.memory_space<hbm>>
      %dma_start3A_39 = arith.constant 0 : i32
      %dma_start3A_40 = arith.constant 0 : i32
      %dma_start3A_41 = tpu.memref_slice %arg3[%add3A, %dma_start3A_39, %dma_start3A_40] : memref<32x64x128xi32, #tpu.memory_space<hbm>> -> memref<1x64x128xi32, #tpu.memory_space<hbm>>
      %dma_start3A_42 = tpu.memref_squeeze %dma_start3A_41 : memref<1x64x128xi32, #tpu.memory_space<hbm>> -> memref<64x128xi32, #tpu.memory_space<hbm>>
      tpu.enqueue_dma source(%dma_start3A_42 : memref<64x128xi32, #tpu.memory_space<hbm>>) target(%arg5 : memref<64x128xi32, #tpu.memory_space<vmem>>) target_semaphore(%run_scoped3A : memref<!tpu.dma_semaphore, #tpu.memory_space<semaphore_mem>>)
      %dma_wait3A_43 = arith.constant 0 : i32
      %dma_wait3A_44 = arith.constant 0 : i32
      %dma_wait3A_45 = tpu.memref_slice %arg3[%add3A, %dma_wait3A_43, %dma_wait3A_44] : memref<32x64x128xi32, #tpu.memory_space<hbm>> -> memref<1x64x128xi32, #tpu.memory_space<hbm>>
      %dma_wait3A_46 = tpu.memref_squeeze %dma_wait3A_45 : memref<1x64x128xi32, #tpu.memory_space<hbm>> -> memref<64x128xi32, #tpu.memory_space<hbm>>
      %dma_wait3A_47 = arith.constant 0 : i32
      %dma_wait3A_48 = arith.constant 0 : i32
      %dma_wait3A_49 = tpu.memref_slice %arg3[%add3A, %dma_wait3A_47, %dma_wait3A_48] : memref<32x64x128xi32, #tpu.memory_space<hbm>> -> memref<1x64x128xi32, #tpu.memory_space<hbm>>
      %dma_wait3A_50 = tpu.memref_squeeze %dma_wait3A_49 : memref<1x64x128xi32, #tpu.memory_space<hbm>> -> memref<64x128xi32, #tpu.memory_space<hbm>>
      tpu.wait_dma2 semaphore(%run_scoped3A : memref<!tpu.dma_semaphore, #tpu.memory_space<semaphore_mem>>) src(%dma_wait3A_50 : memref<64x128xi32, #tpu.memory_space<hbm>>) dst(%arg5 : memref<64x128xi32, #tpu.memory_space<vmem>>)
      tpu.yield
    }) : () -> ()
    %mul3A_1 = arith.constant 8192 : i32
    %mul3A_2 = arith.muli %add3A, %mul3A_1 : i32
    %scan3A = arith.constant 0 : i32
    %scan3A_3 = arith.constant 16 : i32
    %scan3A_4 = arith.addi %scan3A, %scan3A_3 : i32
    %scan3A_5 = arith.constant 1 : i32
    scf.for %scan3A_36 = %scan3A to %scan3A_4 step %scan3A_5  : i32 {
      %mul3A_37 = arith.constant 1 : i32
      %mul3A_38 = arith.muli %scan3A_36, %mul3A_37 : i32
      %add3A_39 = arith.constant 0 : i32
      %add3A_40 = arith.addi %add3A_39, %mul3A_38 : i32
      %jit3A = arith.constant 2 : i32
      %eq3A = arith.constant 0 : i32
      %eq3A_41 = arith.cmpi eq, %jit3A, %eq3A : i32
      %jit3A_42 = arith.constant 1 : i32
      %select_n3A = arith.select %eq3A_41, %jit3A_42, %jit3A : i32
      %rem3A = arith.remsi %add3A_40, %select_n3A : i32
      %ne3A = arith.constant 0 : i32
      %ne3A_43 = arith.cmpi ne, %rem3A, %ne3A : i32
      %lt3A = arith.constant 0 : i32
      %lt3A_44 = arith.cmpi slt, %rem3A, %lt3A : i32
      %lt3A_45 = arith.constant 0 : i32
      %lt3A_46 = arith.cmpi slt, %select_n3A, %lt3A_45 : i32
      %ne3A_47 = arith.xori %lt3A_44, %lt3A_46 : i1
      %and3A = arith.andi %ne3A_47, %ne3A_43 : i1
      %add3A_48 = arith.addi %rem3A, %select_n3A : i32
      %select_n3A_49 = arith.select %and3A, %add3A_48, %rem3A : i32
      %ge3A = arith.constant 2 : i32
      %ge3A_50 = arith.cmpi sge, %add3A_40, %ge3A : i32
      %convert_element_type3A = arith.extui %ge3A_50 : i1 to i32
      %cond3A = arith.constant 0 : i32
      %cond3A_51 = arith.cmpi ne, %convert_element_type3A, %cond3A : i32
      scf.if %cond3A_51 {
        %sub3A = arith.constant 2 : i32
        %sub3A_162 = arith.subi %add3A_40, %sub3A : i32
        %mul3A_163 = arith.constant 512 : i32
        %mul3A_164 = arith.muli %sub3A_162, %mul3A_163 : i32
        %add3A_165 = arith.addi %mul3A_2, %mul3A_164 : i32
        %dma_wait3A_166 = arith.constant 0 : i32
        %dma_wait3A_167 = arith.constant 0 : i32
        %dma_wait3A_168 = tpu.memref_slice %arg6[%select_n3A_49, %dma_wait3A_166, %dma_wait3A_167] : memref<2x512x64xf32, #tpu.memory_space<vmem>> -> memref<1x512x64xf32, #tpu.memory_space<vmem>>
        %dma_wait3A_169 = tpu.memref_squeeze %dma_wait3A_168 : memref<1x512x64xf32, #tpu.memory_space<vmem>> -> memref<512x64xf32, #tpu.memory_space<vmem>>
        %dma_wait3A_170 = arith.constant 0 : i32
        %dma_wait3A_171 = tpu.memref_slice %arg4[%add3A_165, %dma_wait3A_170] : memref<262144x64xf32, #tpu.memory_space<hbm>> -> memref<512x64xf32, #tpu.memory_space<hbm>>
        %dma_wait3A_172 = arith.constant 0 : i32
        %dma_wait3A_173 = tpu.memref_slice %arg4[%add3A_165, %dma_wait3A_172] : memref<262144x64xf32, #tpu.memory_space<hbm>> -> memref<512x64xf32, #tpu.memory_space<hbm>>
        %dma_wait3A_174 = arith.constant 0 : i32
        %dma_wait3A_175 = arith.constant 0 : i32
        %dma_wait3A_176 = tpu.memref_slice %arg6[%select_n3A_49, %dma_wait3A_174, %dma_wait3A_175] : memref<2x512x64xf32, #tpu.memory_space<vmem>> -> memref<1x512x64xf32, #tpu.memory_space<vmem>>
        %dma_wait3A_177 = tpu.memref_squeeze %dma_wait3A_176 : memref<1x512x64xf32, #tpu.memory_space<vmem>> -> memref<512x64xf32, #tpu.memory_space<vmem>>
        tpu.wait_dma2 semaphore(%arg8 : memref<!tpu.dma_semaphore, #tpu.memory_space<semaphore_mem>>) src(%dma_wait3A_177 : memref<512x64xf32, #tpu.memory_space<vmem>>) dst(%dma_wait3A_173 : memref<512x64xf32, #tpu.memory_space<hbm>>)
      } else {
      }
      %mul3A_52 = arith.constant 4 : i32
      %mul3A_53 = arith.muli %add3A_40, %mul3A_52 : i32
      %add3A_54 = arith.constant 0 : i32
      %add3A_55 = arith.addi %mul3A_53, %add3A_54 : i32
      %dma_start3A = arith.constant 0 : i32
      %dma_start3A_56 = arith.constant 0 : i32
      %dma_start3A_57 = tpu.memref_slice %arg6[%select_n3A_49, %dma_start3A, %dma_start3A_56] : memref<2x512x64xf32, #tpu.memory_space<vmem>> -> memref<1x128x64xf32, #tpu.memory_space<vmem>>
      %dma_start3A_58 = tpu.memref_squeeze %dma_start3A_57 : memref<1x128x64xf32, #tpu.memory_space<vmem>> -> memref<128x64xf32, #tpu.memory_space<vmem>>
      %dma_start3A_59 = arith.constant 0 : i32
      %dma_start3A_60 = tpu.memref_slice %arg5[%add3A_55, %dma_start3A_59] : memref<64x128xi32, #tpu.memory_space<vmem>> -> memref<1x128xi32, #tpu.memory_space<vmem>>
      %dma_start3A_61 = tpu.memref_squeeze %dma_start3A_60 : memref<1x128xi32, #tpu.memory_space<vmem>> -> memref<128xi32, #tpu.memory_space<vmem>>
      %dma_start3A_62 = arith.constant 0 : i32
      %dma_start3A_63 = arith.constant 0 : i32
      %dma_start3A_64 = tpu.memref_slice %arg2[%dma_start3A_62, %dma_start3A_63] : memref<262144x64xf32, #tpu.memory_space<hbm>> -> memref<262144x64xf32, #tpu.memory_space<hbm>>
      tpu.enqueue_indirect_dma source(%dma_start3A_64 : memref<262144x64xf32, #tpu.memory_space<hbm>>) target(%dma_start3A_58 : memref<128x64xf32, #tpu.memory_space<vmem>>) offsets(%dma_start3A_61 : memref<128xi32, #tpu.memory_space<vmem>>) semaphore(%arg7 : memref<!tpu.dma_semaphore, #tpu.memory_space<semaphore_mem>>)
      %mul3A_65 = arith.constant 4 : i32
      %mul3A_66 = arith.muli %add3A_40, %mul3A_65 : i32
      %add3A_67 = arith.constant 1 : i32
      %add3A_68 = arith.addi %mul3A_66, %add3A_67 : i32
      %dma_start3A_69 = arith.constant 128 : i32
      %dma_start3A_70 = arith.constant 0 : i32
      %dma_start3A_71 = tpu.memref_slice %arg6[%select_n3A_49, %dma_start3A_69, %dma_start3A_70] : memref<2x512x64xf32, #tpu.memory_space<vmem>> -> memref<1x128x64xf32, #tpu.memory_space<vmem>>
      %dma_start3A_72 = tpu.memref_squeeze %dma_start3A_71 : memref<1x128x64xf32, #tpu.memory_space<vmem>> -> memref<128x64xf32, #tpu.memory_space<vmem>>
      %dma_start3A_73 = arith.constant 0 : i32
      %dma_start3A_74 = tpu.memref_slice %arg5[%add3A_68, %dma_start3A_73] : memref<64x128xi32, #tpu.memory_space<vmem>> -> memref<1x128xi32, #tpu.memory_space<vmem>>
      %dma_start3A_75 = tpu.memref_squeeze %dma_start3A_74 : memref<1x128xi32, #tpu.memory_space<vmem>> -> memref<128xi32, #tpu.memory_space<vmem>>
      %dma_start3A_76 = arith.constant 0 : i32
      %dma_start3A_77 = arith.constant 0 : i32
      %dma_start3A_78 = tpu.memref_slice %arg2[%dma_start3A_76, %dma_start3A_77] : memref<262144x64xf32, #tpu.memory_space<hbm>> -> memref<262144x64xf32, #tpu.memory_space<hbm>>
      tpu.enqueue_indirect_dma source(%dma_start3A_78 : memref<262144x64xf32, #tpu.memory_space<hbm>>) target(%dma_start3A_72 : memref<128x64xf32, #tpu.memory_space<vmem>>) offsets(%dma_start3A_75 : memref<128xi32, #tpu.memory_space<vmem>>) semaphore(%arg7 : memref<!tpu.dma_semaphore, #tpu.memory_space<semaphore_mem>>)
      %mul3A_79 = arith.constant 4 : i32
      %mul3A_80 = arith.muli %add3A_40, %mul3A_79 : i32
      %add3A_81 = arith.constant 2 : i32
      %add3A_82 = arith.addi %mul3A_80, %add3A_81 : i32
      %dma_start3A_83 = arith.constant 256 : i32
      %dma_start3A_84 = arith.constant 0 : i32
      %dma_start3A_85 = tpu.memref_slice %arg6[%select_n3A_49, %dma_start3A_83, %dma_start3A_84] : memref<2x512x64xf32, #tpu.memory_space<vmem>> -> memref<1x128x64xf32, #tpu.memory_space<vmem>>
      %dma_start3A_86 = tpu.memref_squeeze %dma_start3A_85 : memref<1x128x64xf32, #tpu.memory_space<vmem>> -> memref<128x64xf32, #tpu.memory_space<vmem>>
      %dma_start3A_87 = arith.constant 0 : i32
      %dma_start3A_88 = tpu.memref_slice %arg5[%add3A_82, %dma_start3A_87] : memref<64x128xi32, #tpu.memory_space<vmem>> -> memref<1x128xi32, #tpu.memory_space<vmem>>
      %dma_start3A_89 = tpu.memref_squeeze %dma_start3A_88 : memref<1x128xi32, #tpu.memory_space<vmem>> -> memref<128xi32, #tpu.memory_space<vmem>>
      %dma_start3A_90 = arith.constant 0 : i32
      %dma_start3A_91 = arith.constant 0 : i32
      %dma_start3A_92 = tpu.memref_slice %arg2[%dma_start3A_90, %dma_start3A_91] : memref<262144x64xf32, #tpu.memory_space<hbm>> -> memref<262144x64xf32, #tpu.memory_space<hbm>>
      tpu.enqueue_indirect_dma source(%dma_start3A_92 : memref<262144x64xf32, #tpu.memory_space<hbm>>) target(%dma_start3A_86 : memref<128x64xf32, #tpu.memory_space<vmem>>) offsets(%dma_start3A_89 : memref<128xi32, #tpu.memory_space<vmem>>) semaphore(%arg7 : memref<!tpu.dma_semaphore, #tpu.memory_space<semaphore_mem>>)
      %mul3A_93 = arith.constant 4 : i32
      %mul3A_94 = arith.muli %add3A_40, %mul3A_93 : i32
      %add3A_95 = arith.constant 3 : i32
      %add3A_96 = arith.addi %mul3A_94, %add3A_95 : i32
      %dma_start3A_97 = arith.constant 384 : i32
      %dma_start3A_98 = arith.constant 0 : i32
      %dma_start3A_99 = tpu.memref_slice %arg6[%select_n3A_49, %dma_start3A_97, %dma_start3A_98] : memref<2x512x64xf32, #tpu.memory_space<vmem>> -> memref<1x128x64xf32, #tpu.memory_space<vmem>>
      %dma_start3A_100 = tpu.memref_squeeze %dma_start3A_99 : memref<1x128x64xf32, #tpu.memory_space<vmem>> -> memref<128x64xf32, #tpu.memory_space<vmem>>
      %dma_start3A_101 = arith.constant 0 : i32
      %dma_start3A_102 = tpu.memref_slice %arg5[%add3A_96, %dma_start3A_101] : memref<64x128xi32, #tpu.memory_space<vmem>> -> memref<1x128xi32, #tpu.memory_space<vmem>>
      %dma_start3A_103 = tpu.memref_squeeze %dma_start3A_102 : memref<1x128xi32, #tpu.memory_space<vmem>> -> memref<128xi32, #tpu.memory_space<vmem>>
      %dma_start3A_104 = arith.constant 0 : i32
      %dma_start3A_105 = arith.constant 0 : i32
      %dma_start3A_106 = tpu.memref_slice %arg2[%dma_start3A_104, %dma_start3A_105] : memref<262144x64xf32, #tpu.memory_space<hbm>> -> memref<262144x64xf32, #tpu.memory_space<hbm>>
      tpu.enqueue_indirect_dma source(%dma_start3A_106 : memref<262144x64xf32, #tpu.memory_space<hbm>>) target(%dma_start3A_100 : memref<128x64xf32, #tpu.memory_space<vmem>>) offsets(%dma_start3A_103 : memref<128xi32, #tpu.memory_space<vmem>>) semaphore(%arg7 : memref<!tpu.dma_semaphore, #tpu.memory_space<semaphore_mem>>)
      %dma_wait3A_107 = arith.constant 0 : i32
      %dma_wait3A_108 = arith.constant 0 : i32
      %dma_wait3A_109 = tpu.memref_slice %arg6[%select_n3A_49, %dma_wait3A_107, %dma_wait3A_108] : memref<2x512x64xf32, #tpu.memory_space<vmem>> -> memref<1x128x64xf32, #tpu.memory_space<vmem>>
      %dma_wait3A_110 = tpu.memref_squeeze %dma_wait3A_109 : memref<1x128x64xf32, #tpu.memory_space<vmem>> -> memref<128x64xf32, #tpu.memory_space<vmem>>
      %dma_wait3A_111 = arith.constant 0 : i32
      %dma_wait3A_112 = tpu.memref_slice %arg5[%add3A_55, %dma_wait3A_111] : memref<64x128xi32, #tpu.memory_space<vmem>> -> memref<1x128xi32, #tpu.memory_space<vmem>>
      %dma_wait3A_113 = tpu.memref_squeeze %dma_wait3A_112 : memref<1x128xi32, #tpu.memory_space<vmem>> -> memref<128xi32, #tpu.memory_space<vmem>>
      %dma_wait3A_114 = arith.constant 0 : i32
      %dma_wait3A_115 = arith.constant 0 : i32
      %dma_wait3A_116 = tpu.memref_slice %arg2[%dma_wait3A_114, %dma_wait3A_115] : memref<262144x64xf32, #tpu.memory_space<hbm>> -> memref<262144x64xf32, #tpu.memory_space<hbm>>
      tpu.wait_indirect_dma semaphore(%arg7 : memref<!tpu.dma_semaphore, #tpu.memory_space<semaphore_mem>>) src(%dma_wait3A_116 : memref<262144x64xf32, #tpu.memory_space<hbm>>) dst(%dma_wait3A_110 : memref<128x64xf32, #tpu.memory_space<vmem>>)
      %dma_wait3A_117 = arith.constant 128 : i32
      %dma_wait3A_118 = arith.constant 0 : i32
      %dma_wait3A_119 = tpu.memref_slice %arg6[%select_n3A_49, %dma_wait3A_117, %dma_wait3A_118] : memref<2x512x64xf32, #tpu.memory_space<vmem>> -> memref<1x128x64xf32, #tpu.memory_space<vmem>>
      %dma_wait3A_120 = tpu.memref_squeeze %dma_wait3A_119 : memref<1x128x64xf32, #tpu.memory_space<vmem>> -> memref<128x64xf32, #tpu.memory_space<vmem>>
      %dma_wait3A_121 = arith.constant 0 : i32
      %dma_wait3A_122 = tpu.memref_slice %arg5[%add3A_68, %dma_wait3A_121] : memref<64x128xi32, #tpu.memory_space<vmem>> -> memref<1x128xi32, #tpu.memory_space<vmem>>
      %dma_wait3A_123 = tpu.memref_squeeze %dma_wait3A_122 : memref<1x128xi32, #tpu.memory_space<vmem>> -> memref<128xi32, #tpu.memory_space<vmem>>
      %dma_wait3A_124 = arith.constant 0 : i32
      %dma_wait3A_125 = arith.constant 0 : i32
      %dma_wait3A_126 = tpu.memref_slice %arg2[%dma_wait3A_124, %dma_wait3A_125] : memref<262144x64xf32, #tpu.memory_space<hbm>> -> memref<262144x64xf32, #tpu.memory_space<hbm>>
      tpu.wait_indirect_dma semaphore(%arg7 : memref<!tpu.dma_semaphore, #tpu.memory_space<semaphore_mem>>) src(%dma_wait3A_126 : memref<262144x64xf32, #tpu.memory_space<hbm>>) dst(%dma_wait3A_120 : memref<128x64xf32, #tpu.memory_space<vmem>>)
      %dma_wait3A_127 = arith.constant 256 : i32
      %dma_wait3A_128 = arith.constant 0 : i32
      %dma_wait3A_129 = tpu.memref_slice %arg6[%select_n3A_49, %dma_wait3A_127, %dma_wait3A_128] : memref<2x512x64xf32, #tpu.memory_space<vmem>> -> memref<1x128x64xf32, #tpu.memory_space<vmem>>
      %dma_wait3A_130 = tpu.memref_squeeze %dma_wait3A_129 : memref<1x128x64xf32, #tpu.memory_space<vmem>> -> memref<128x64xf32, #tpu.memory_space<vmem>>
      %dma_wait3A_131 = arith.constant 0 : i32
      %dma_wait3A_132 = tpu.memref_slice %arg5[%add3A_82, %dma_wait3A_131] : memref<64x128xi32, #tpu.memory_space<vmem>> -> memref<1x128xi32, #tpu.memory_space<vmem>>
      %dma_wait3A_133 = tpu.memref_squeeze %dma_wait3A_132 : memref<1x128xi32, #tpu.memory_space<vmem>> -> memref<128xi32, #tpu.memory_space<vmem>>
      %dma_wait3A_134 = arith.constant 0 : i32
      %dma_wait3A_135 = arith.constant 0 : i32
      %dma_wait3A_136 = tpu.memref_slice %arg2[%dma_wait3A_134, %dma_wait3A_135] : memref<262144x64xf32, #tpu.memory_space<hbm>> -> memref<262144x64xf32, #tpu.memory_space<hbm>>
      tpu.wait_indirect_dma semaphore(%arg7 : memref<!tpu.dma_semaphore, #tpu.memory_space<semaphore_mem>>) src(%dma_wait3A_136 : memref<262144x64xf32, #tpu.memory_space<hbm>>) dst(%dma_wait3A_130 : memref<128x64xf32, #tpu.memory_space<vmem>>)
      %dma_wait3A_137 = arith.constant 384 : i32
      %dma_wait3A_138 = arith.constant 0 : i32
      %dma_wait3A_139 = tpu.memref_slice %arg6[%select_n3A_49, %dma_wait3A_137, %dma_wait3A_138] : memref<2x512x64xf32, #tpu.memory_space<vmem>> -> memref<1x128x64xf32, #tpu.memory_space<vmem>>
      %dma_wait3A_140 = tpu.memref_squeeze %dma_wait3A_139 : memref<1x128x64xf32, #tpu.memory_space<vmem>> -> memref<128x64xf32, #tpu.memory_space<vmem>>
      %dma_wait3A_141 = arith.constant 0 : i32
      %dma_wait3A_142 = tpu.memref_slice %arg5[%add3A_96, %dma_wait3A_141] : memref<64x128xi32, #tpu.memory_space<vmem>> -> memref<1x128xi32, #tpu.memory_space<vmem>>
      %dma_wait3A_143 = tpu.memref_squeeze %dma_wait3A_142 : memref<1x128xi32, #tpu.memory_space<vmem>> -> memref<128xi32, #tpu.memory_space<vmem>>
      %dma_wait3A_144 = arith.constant 0 : i32
      %dma_wait3A_145 = arith.constant 0 : i32
      %dma_wait3A_146 = tpu.memref_slice %arg2[%dma_wait3A_144, %dma_wait3A_145] : memref<262144x64xf32, #tpu.memory_space<hbm>> -> memref<262144x64xf32, #tpu.memory_space<hbm>>
      tpu.wait_indirect_dma semaphore(%arg7 : memref<!tpu.dma_semaphore, #tpu.memory_space<semaphore_mem>>) src(%dma_wait3A_146 : memref<262144x64xf32, #tpu.memory_space<hbm>>) dst(%dma_wait3A_140 : memref<128x64xf32, #tpu.memory_space<vmem>>)
      %mul3A_147 = arith.constant 512 : i32
      %mul3A_148 = arith.muli %add3A_40, %mul3A_147 : i32
      %add3A_149 = arith.addi %mul3A_2, %mul3A_148 : i32
      %dma_start3A_150 = arith.constant 0 : i32
      %dma_start3A_151 = arith.constant 0 : i32
      %dma_start3A_152 = tpu.memref_slice %arg6[%select_n3A_49, %dma_start3A_150, %dma_start3A_151] : memref<2x512x64xf32, #tpu.memory_space<vmem>> -> memref<1x512x64xf32, #tpu.memory_space<vmem>>
      %dma_start3A_153 = tpu.memref_squeeze %dma_start3A_152 : memref<1x512x64xf32, #tpu.memory_space<vmem>> -> memref<512x64xf32, #tpu.memory_space<vmem>>
      %dma_start3A_154 = arith.constant 0 : i32
      %dma_start3A_155 = tpu.memref_slice %arg4[%add3A_149, %dma_start3A_154] : memref<262144x64xf32, #tpu.memory_space<hbm>> -> memref<512x64xf32, #tpu.memory_space<hbm>>
      %dma_start3A_156 = arith.constant 0 : i32
      %dma_start3A_157 = tpu.memref_slice %arg4[%add3A_149, %dma_start3A_156] : memref<262144x64xf32, #tpu.memory_space<hbm>> -> memref<512x64xf32, #tpu.memory_space<hbm>>
      %dma_start3A_158 = arith.constant 0 : i32
      %dma_start3A_159 = arith.constant 0 : i32
      %dma_start3A_160 = tpu.memref_slice %arg6[%select_n3A_49, %dma_start3A_158, %dma_start3A_159] : memref<2x512x64xf32, #tpu.memory_space<vmem>> -> memref<1x512x64xf32, #tpu.memory_space<vmem>>
      %dma_start3A_161 = tpu.memref_squeeze %dma_start3A_160 : memref<1x512x64xf32, #tpu.memory_space<vmem>> -> memref<512x64xf32, #tpu.memory_space<vmem>>
      tpu.enqueue_dma source(%dma_start3A_161 : memref<512x64xf32, #tpu.memory_space<vmem>>) target(%dma_start3A_157 : memref<512x64xf32, #tpu.memory_space<hbm>>) target_semaphore(%arg8 : memref<!tpu.dma_semaphore, #tpu.memory_space<semaphore_mem>>)
    }
    %scan3A_6 = arith.constant 16 : i32
    %add3A_7 = arith.constant 7168 : i32
    %add3A_8 = arith.addi %mul3A_2, %add3A_7 : i32
    %dma_wait3A = arith.constant 0 : i32
    %dma_wait3A_9 = arith.constant 0 : i32
    %dma_wait3A_10 = arith.constant 0 : i32
    %dma_wait3A_11 = tpu.memref_slice %arg6[%dma_wait3A, %dma_wait3A_9, %dma_wait3A_10] : memref<2x512x64xf32, #tpu.memory_space<vmem>> -> memref<1x512x64xf32, #tpu.memory_space<vmem>>
    %dma_wait3A_12 = tpu.memref_squeeze %dma_wait3A_11 : memref<1x512x64xf32, #tpu.memory_space<vmem>> -> memref<512x64xf32, #tpu.memory_space<vmem>>
    %dma_wait3A_13 = arith.constant 0 : i32
    %dma_wait3A_14 = tpu.memref_slice %arg4[%add3A_8, %dma_wait3A_13] : memref<262144x64xf32, #tpu.memory_space<hbm>> -> memref<512x64xf32, #tpu.memory_space<hbm>>
    %dma_wait3A_15 = arith.constant 0 : i32
    %dma_wait3A_16 = tpu.memref_slice %arg4[%add3A_8, %dma_wait3A_15] : memref<262144x64xf32, #tpu.memory_space<hbm>> -> memref<512x64xf32, #tpu.memory_space<hbm>>
    %dma_wait3A_17 = arith.constant 0 : i32
    %dma_wait3A_18 = arith.constant 0 : i32
    %dma_wait3A_19 = tpu.memref_slice %arg6[%dma_wait3A, %dma_wait3A_17, %dma_wait3A_18] : memref<2x512x64xf32, #tpu.memory_space<vmem>> -> memref<1x512x64xf32, #tpu.memory_space<vmem>>
    %dma_wait3A_20 = tpu.memref_squeeze %dma_wait3A_19 : memref<1x512x64xf32, #tpu.memory_space<vmem>> -> memref<512x64xf32, #tpu.memory_space<vmem>>
    tpu.wait_dma2 semaphore(%arg8 : memref<!tpu.dma_semaphore, #tpu.memory_space<semaphore_mem>>) src(%dma_wait3A_20 : memref<512x64xf32, #tpu.memory_space<vmem>>) dst(%dma_wait3A_16 : memref<512x64xf32, #tpu.memory_space<hbm>>)
    %add3A_21 = arith.constant 7680 : i32
    %add3A_22 = arith.addi %mul3A_2, %add3A_21 : i32
    %dma_wait3A_23 = arith.constant 1 : i32
    %dma_wait3A_24 = arith.constant 0 : i32
    %dma_wait3A_25 = arith.constant 0 : i32
    %dma_wait3A_26 = tpu.memref_slice %arg6[%dma_wait3A_23, %dma_wait3A_24, %dma_wait3A_25] : memref<2x512x64xf32, #tpu.memory_space<vmem>> -> memref<1x512x64xf32, #tpu.memory_space<vmem>>
    %dma_wait3A_27 = tpu.memref_squeeze %dma_wait3A_26 : memref<1x512x64xf32, #tpu.memory_space<vmem>> -> memref<512x64xf32, #tpu.memory_space<vmem>>
    %dma_wait3A_28 = arith.constant 0 : i32
    %dma_wait3A_29 = tpu.memref_slice %arg4[%add3A_22, %dma_wait3A_28] : memref<262144x64xf32, #tpu.memory_space<hbm>> -> memref<512x64xf32, #tpu.memory_space<hbm>>
    %dma_wait3A_30 = arith.constant 0 : i32
    %dma_wait3A_31 = tpu.memref_slice %arg4[%add3A_22, %dma_wait3A_30] : memref<262144x64xf32, #tpu.memory_space<hbm>> -> memref<512x64xf32, #tpu.memory_space<hbm>>
    %dma_wait3A_32 = arith.constant 0 : i32
    %dma_wait3A_33 = arith.constant 0 : i32
    %dma_wait3A_34 = tpu.memref_slice %arg6[%dma_wait3A_23, %dma_wait3A_32, %dma_wait3A_33] : memref<2x512x64xf32, #tpu.memory_space<vmem>> -> memref<1x512x64xf32, #tpu.memory_space<vmem>>
    %dma_wait3A_35 = tpu.memref_squeeze %dma_wait3A_34 : memref<1x512x64xf32, #tpu.memory_space<vmem>> -> memref<512x64xf32, #tpu.memory_space<vmem>>
    tpu.wait_dma2 semaphore(%arg8 : memref<!tpu.dma_semaphore, #tpu.memory_space<semaphore_mem>>) src(%dma_wait3A_35 : memref<512x64xf32, #tpu.memory_space<vmem>>) dst(%dma_wait3A_31 : memref<512x64xf32, #tpu.memory_space<hbm>>)
    return
  }
}

module attributes {stable_mosaic.version = 14 : i64} {
  func.func @body(%arg0: i32, %arg1: i32, %arg2: memref<4x2048x128xf32, #tpu.memory_space<vmem>>, %arg3: memref<50x8x2048xf32, #tpu.memory_space<vmem>>, %arg4: memref<50x1x8x2048xi8, #tpu.memory_space<vmem>>, %arg5: memref<50x8x2048xf32, #tpu.memory_space<vmem>>) attributes {dimension_semantics = [#tpu.dimension_semantics<arbitrary>, #tpu.dimension_semantics<arbitrary>], iteration_bounds = array<i64: 8, 2>, scalar_prefetch = 0 : i64, scratch_operands = 0 : i64, tpu.core_type = #tpu.core_type<tc>, window_params = [{transform_indices = @transform_0, window_bounds = array<i64: 4, 2048, 128>}, {transform_indices = @transform_1, window_bounds = array<i64: 50, 8, 2048>}, {transform_indices = @transform_2, window_bounds = array<i64: 50, 1, 8, 2048>}, {transform_indices = @transform_3, window_bounds = array<i64: 50, 8, 2048>}]} {
    %get3A = arith.constant 0 : index
    %get3A_0 = arith.constant 0 : index
    %get3A_1 = arith.constant 0 : index
    %get3A_2 = arith.constant 0 : index
    %get3A_3 = vector.load %arg4[%get3A, %get3A_0, %get3A_1, %get3A_2] : memref<50x1x8x2048xi8, #tpu.memory_space<vmem>>, vector<50x1x8x2048xi8>
    %get3A_4 = vector.shape_cast %get3A_3 : vector<50x1x8x2048xi8> to vector<50x8x2048xi8>
    %ne3A = arith.constant 0 : i8
    %ne3A_5 = vector.broadcast %ne3A : i8 to vector<50x8x2048xi8>
    %ne3A_6 = arith.cmpi ne, %get3A_4, %ne3A_5 : vector<50x8x2048xi8>
    %get3A_7 = arith.constant 0 : index
    %get3A_8 = arith.constant 0 : index
    %get3A_9 = arith.constant 0 : index
    %get3A_10 = vector.load %arg2[%get3A_7, %get3A_8, %get3A_9] : memref<4x2048x128xf32, #tpu.memory_space<vmem>>, vector<4x2048x50xf32>
    %get3A_11 = arith.constant 0 : index
    %get3A_12 = arith.constant 0 : index
    %get3A_13 = arith.constant 64 : index
    %get3A_14 = vector.load %arg2[%get3A_11, %get3A_12, %get3A_13] : memref<4x2048x128xf32, #tpu.memory_space<vmem>>, vector<4x2048x50xf32>
    %transpose3A = tpu.transpose %get3A_10, [2, 0, 1] : vector<4x2048x50xf32> -> vector<50x4x2048xf32>
    %transpose3A_15 = tpu.transpose %get3A_14, [2, 0, 1] : vector<4x2048x50xf32> -> vector<50x4x2048xf32>
    %stack3A = vector.shape_cast %transpose3A : vector<50x4x2048xf32> to vector<50x4x1x2048xf32>
    %stack3A_16 = vector.shape_cast %transpose3A_15 : vector<50x4x2048xf32> to vector<50x4x1x2048xf32>
    %stack3A_17 = tpu.concatenate %stack3A, %stack3A_16 in 2 : vector<50x4x1x2048xf32>, vector<50x4x1x2048xf32> -> vector<50x4x2x2048xf32>
    %reshape3A = vector.shape_cast %stack3A_17 : vector<50x4x2x2048xf32> to vector<50x8x2048xf32>
    %get3A_18 = arith.constant 0 : index
    %get3A_19 = arith.constant 0 : index
    %get3A_20 = arith.constant 0 : index
    %get3A_21 = vector.load %arg3[%get3A_18, %get3A_19, %get3A_20] : memref<50x8x2048xf32, #tpu.memory_space<vmem>>, vector<50x8x2048xf32>
    %select_n3A = arith.select %ne3A_6, %reshape3A, %get3A_21 : vector<50x8x2048xi1>, vector<50x8x2048xf32>
    %swap3A = arith.constant 0 : index
    %swap3A_22 = arith.constant 0 : index
    %swap3A_23 = arith.constant 0 : index
    %swap3A_24 = vector.load %arg5[%swap3A, %swap3A_22, %swap3A_23] : memref<50x8x2048xf32, #tpu.memory_space<vmem>>, vector<50x8x2048xf32>
    tpu.vector_store %arg5[%swap3A, %swap3A_22, %swap3A_23], %select_n3A {strides = array<i32>} : memref<50x8x2048xf32, #tpu.memory_space<vmem>>, vector<50x8x2048xf32>,
    return
  }
  func.func @transform_0(%arg0: i32, %arg1: i32) -> (i32, i32, i32) {
    %c0_i32 = arith.constant 0 : i32
    %c0_i32_0 = arith.constant 0 : i32
    return %arg0, %arg1, %c0_i32 : i32, i32, i32
  }
  func.func @transform_1(%arg0: i32, %arg1: i32) -> (i32, i32, i32) {
    %c0_i32 = arith.constant 0 : i32
    %c0_i32_0 = arith.constant 0 : i32
    return %c0_i32, %arg0, %arg1 : i32, i32, i32
  }
  func.func @transform_2(%arg0: i32, %arg1: i32) -> (i32, i32, i32, i32) {
    %c0_i32 = arith.constant 0 : i32
    %c0_i32_0 = arith.constant 0 : i32
    %c0_i32_1 = arith.constant 0 : i32
    return %c0_i32, %arg0, %c0_i32_0, %arg1 : i32, i32, i32, i32
  }
  func.func @transform_3(%arg0: i32, %arg1: i32) -> (i32, i32, i32) {
    %c0_i32 = arith.constant 0 : i32
    %c0_i32_0 = arith.constant 0 : i32
    return %c0_i32, %arg0, %arg1 : i32, i32, i32
  }
}

module attributes {stable_mosaic.version = 14 : i64} {
  func.func @body(%arg0: i32, %arg1: i32, %arg2: memref<50x8x2048xf32, #tpu.memory_space<vmem>>, %arg3: memref<4x2048x128xf32, #tpu.memory_space<vmem>>) attributes {dimension_semantics = [#tpu.dimension_semantics<arbitrary>, #tpu.dimension_semantics<arbitrary>], iteration_bounds = array<i64: 8, 2>, scalar_prefetch = 0 : i64, scratch_operands = 0 : i64, tpu.core_type = #tpu.core_type<tc>, window_params = [{transform_indices = @transform_0, window_bounds = array<i64: 50, 8, 2048>}, {transform_indices = @transform_1, window_bounds = array<i64: 4, 2048, 128>}]} {
    %get3A = arith.constant 0 : index
    %get3A_0 = arith.constant 0 : index
    %get3A_1 = arith.constant 0 : index
    %get3A_2 = vector.load %arg2[%get3A, %get3A_0, %get3A_1] : memref<50x8x2048xf32, #tpu.memory_space<vmem>>, vector<50x1x2048xf32>
    %get3A_3 = vector.shape_cast %get3A_2 : vector<50x1x2048xf32> to vector<50x2048xf32>
    %transpose3A = tpu.transpose %get3A_3, [1, 0] : vector<50x2048xf32> -> vector<2048x50xf32>
    %swap3A = arith.constant 0 : index
    %swap3A_4 = arith.constant 0 : index
    %swap3A_5 = arith.constant 0 : index
    %swap3A_6 = vector.load %arg3[%swap3A, %swap3A_4, %swap3A_5] : memref<4x2048x128xf32, #tpu.memory_space<vmem>>, vector<1x2048x50xf32>
    %swap3A_7 = vector.shape_cast %swap3A_6 : vector<1x2048x50xf32> to vector<2048x50xf32>
    %swap3A_8 = vector.shape_cast %transpose3A : vector<2048x50xf32> to vector<1x2048x50xf32>
    tpu.vector_store %arg3[%swap3A, %swap3A_4, %swap3A_5], %swap3A_8 {strides = array<i32>} : memref<4x2048x128xf32, #tpu.memory_space<vmem>>, vector<1x2048x50xf32>,
    %get3A_9 = arith.constant 0 : index
    %get3A_10 = arith.constant 1 : index
    %get3A_11 = arith.constant 0 : index
    %get3A_12 = vector.load %arg2[%get3A_9, %get3A_10, %get3A_11] : memref<50x8x2048xf32, #tpu.memory_space<vmem>>, vector<50x1x2048xf32>
    %get3A_13 = vector.shape_cast %get3A_12 : vector<50x1x2048xf32> to vector<50x2048xf32>
    %transpose3A_14 = tpu.transpose %get3A_13, [1, 0] : vector<50x2048xf32> -> vector<2048x50xf32>
    %swap3A_15 = arith.constant 0 : index
    %swap3A_16 = arith.constant 0 : index
    %swap3A_17 = arith.constant 64 : index
    %swap3A_18 = vector.load %arg3[%swap3A_15, %swap3A_16, %swap3A_17] : memref<4x2048x128xf32, #tpu.memory_space<vmem>>, vector<1x2048x50xf32>
    %swap3A_19 = vector.shape_cast %swap3A_18 : vector<1x2048x50xf32> to vector<2048x50xf32>
    %swap3A_20 = vector.shape_cast %transpose3A_14 : vector<2048x50xf32> to vector<1x2048x50xf32>
    tpu.vector_store %arg3[%swap3A_15, %swap3A_16, %swap3A_17], %swap3A_20 {strides = array<i32>} : memref<4x2048x128xf32, #tpu.memory_space<vmem>>, vector<1x2048x50xf32>,
    %get3A_21 = arith.constant 0 : index
    %get3A_22 = arith.constant 2 : index
    %get3A_23 = arith.constant 0 : index
    %get3A_24 = vector.load %arg2[%get3A_21, %get3A_22, %get3A_23] : memref<50x8x2048xf32, #tpu.memory_space<vmem>>, vector<50x1x2048xf32>
    %get3A_25 = vector.shape_cast %get3A_24 : vector<50x1x2048xf32> to vector<50x2048xf32>
    %transpose3A_26 = tpu.transpose %get3A_25, [1, 0] : vector<50x2048xf32> -> vector<2048x50xf32>
    %swap3A_27 = arith.constant 1 : index
    %swap3A_28 = arith.constant 0 : index
    %swap3A_29 = arith.constant 0 : index
    %swap3A_30 = vector.load %arg3[%swap3A_27, %swap3A_28, %swap3A_29] : memref<4x2048x128xf32, #tpu.memory_space<vmem>>, vector<1x2048x50xf32>
    %swap3A_31 = vector.shape_cast %swap3A_30 : vector<1x2048x50xf32> to vector<2048x50xf32>
    %swap3A_32 = vector.shape_cast %transpose3A_26 : vector<2048x50xf32> to vector<1x2048x50xf32>
    tpu.vector_store %arg3[%swap3A_27, %swap3A_28, %swap3A_29], %swap3A_32 {strides = array<i32>} : memref<4x2048x128xf32, #tpu.memory_space<vmem>>, vector<1x2048x50xf32>,
    %get3A_33 = arith.constant 0 : index
    %get3A_34 = arith.constant 3 : index
    %get3A_35 = arith.constant 0 : index
    %get3A_36 = vector.load %arg2[%get3A_33, %get3A_34, %get3A_35] : memref<50x8x2048xf32, #tpu.memory_space<vmem>>, vector<50x1x2048xf32>
    %get3A_37 = vector.shape_cast %get3A_36 : vector<50x1x2048xf32> to vector<50x2048xf32>
    %transpose3A_38 = tpu.transpose %get3A_37, [1, 0] : vector<50x2048xf32> -> vector<2048x50xf32>
    %swap3A_39 = arith.constant 1 : index
    %swap3A_40 = arith.constant 0 : index
    %swap3A_41 = arith.constant 64 : index
    %swap3A_42 = vector.load %arg3[%swap3A_39, %swap3A_40, %swap3A_41] : memref<4x2048x128xf32, #tpu.memory_space<vmem>>, vector<1x2048x50xf32>
    %swap3A_43 = vector.shape_cast %swap3A_42 : vector<1x2048x50xf32> to vector<2048x50xf32>
    %swap3A_44 = vector.shape_cast %transpose3A_38 : vector<2048x50xf32> to vector<1x2048x50xf32>
    tpu.vector_store %arg3[%swap3A_39, %swap3A_40, %swap3A_41], %swap3A_44 {strides = array<i32>} : memref<4x2048x128xf32, #tpu.memory_space<vmem>>, vector<1x2048x50xf32>,
    %get3A_45 = arith.constant 0 : index
    %get3A_46 = arith.constant 4 : index
    %get3A_47 = arith.constant 0 : index
    %get3A_48 = vector.load %arg2[%get3A_45, %get3A_46, %get3A_47] : memref<50x8x2048xf32, #tpu.memory_space<vmem>>, vector<50x1x2048xf32>
    %get3A_49 = vector.shape_cast %get3A_48 : vector<50x1x2048xf32> to vector<50x2048xf32>
    %transpose3A_50 = tpu.transpose %get3A_49, [1, 0] : vector<50x2048xf32> -> vector<2048x50xf32>
    %swap3A_51 = arith.constant 2 : index
    %swap3A_52 = arith.constant 0 : index
    %swap3A_53 = arith.constant 0 : index
    %swap3A_54 = vector.load %arg3[%swap3A_51, %swap3A_52, %swap3A_53] : memref<4x2048x128xf32, #tpu.memory_space<vmem>>, vector<1x2048x50xf32>
    %swap3A_55 = vector.shape_cast %swap3A_54 : vector<1x2048x50xf32> to vector<2048x50xf32>
    %swap3A_56 = vector.shape_cast %transpose3A_50 : vector<2048x50xf32> to vector<1x2048x50xf32>
    tpu.vector_store %arg3[%swap3A_51, %swap3A_52, %swap3A_53], %swap3A_56 {strides = array<i32>} : memref<4x2048x128xf32, #tpu.memory_space<vmem>>, vector<1x2048x50xf32>,
    %get3A_57 = arith.constant 0 : index
    %get3A_58 = arith.constant 5 : index
    %get3A_59 = arith.constant 0 : index
    %get3A_60 = vector.load %arg2[%get3A_57, %get3A_58, %get3A_59] : memref<50x8x2048xf32, #tpu.memory_space<vmem>>, vector<50x1x2048xf32>
    %get3A_61 = vector.shape_cast %get3A_60 : vector<50x1x2048xf32> to vector<50x2048xf32>
    %transpose3A_62 = tpu.transpose %get3A_61, [1, 0] : vector<50x2048xf32> -> vector<2048x50xf32>
    %swap3A_63 = arith.constant 2 : index
    %swap3A_64 = arith.constant 0 : index
    %swap3A_65 = arith.constant 64 : index
    %swap3A_66 = vector.load %arg3[%swap3A_63, %swap3A_64, %swap3A_65] : memref<4x2048x128xf32, #tpu.memory_space<vmem>>, vector<1x2048x50xf32>
    %swap3A_67 = vector.shape_cast %swap3A_66 : vector<1x2048x50xf32> to vector<2048x50xf32>
    %swap3A_68 = vector.shape_cast %transpose3A_62 : vector<2048x50xf32> to vector<1x2048x50xf32>
    tpu.vector_store %arg3[%swap3A_63, %swap3A_64, %swap3A_65], %swap3A_68 {strides = array<i32>} : memref<4x2048x128xf32, #tpu.memory_space<vmem>>, vector<1x2048x50xf32>,
    %get3A_69 = arith.constant 0 : index
    %get3A_70 = arith.constant 6 : index
    %get3A_71 = arith.constant 0 : index
    %get3A_72 = vector.load %arg2[%get3A_69, %get3A_70, %get3A_71] : memref<50x8x2048xf32, #tpu.memory_space<vmem>>, vector<50x1x2048xf32>
    %get3A_73 = vector.shape_cast %get3A_72 : vector<50x1x2048xf32> to vector<50x2048xf32>
    %transpose3A_74 = tpu.transpose %get3A_73, [1, 0] : vector<50x2048xf32> -> vector<2048x50xf32>
    %swap3A_75 = arith.constant 3 : index
    %swap3A_76 = arith.constant 0 : index
    %swap3A_77 = arith.constant 0 : index
    %swap3A_78 = vector.load %arg3[%swap3A_75, %swap3A_76, %swap3A_77] : memref<4x2048x128xf32, #tpu.memory_space<vmem>>, vector<1x2048x50xf32>
    %swap3A_79 = vector.shape_cast %swap3A_78 : vector<1x2048x50xf32> to vector<2048x50xf32>
    %swap3A_80 = vector.shape_cast %transpose3A_74 : vector<2048x50xf32> to vector<1x2048x50xf32>
    tpu.vector_store %arg3[%swap3A_75, %swap3A_76, %swap3A_77], %swap3A_80 {strides = array<i32>} : memref<4x2048x128xf32, #tpu.memory_space<vmem>>, vector<1x2048x50xf32>,
    %get3A_81 = arith.constant 0 : index
    %get3A_82 = arith.constant 7 : index
    %get3A_83 = arith.constant 0 : index
    %get3A_84 = vector.load %arg2[%get3A_81, %get3A_82, %get3A_83] : memref<50x8x2048xf32, #tpu.memory_space<vmem>>, vector<50x1x2048xf32>
    %get3A_85 = vector.shape_cast %get3A_84 : vector<50x1x2048xf32> to vector<50x2048xf32>
    %transpose3A_86 = tpu.transpose %get3A_85, [1, 0] : vector<50x2048xf32> -> vector<2048x50xf32>
    %swap3A_87 = arith.constant 3 : index
    %swap3A_88 = arith.constant 0 : index
    %swap3A_89 = arith.constant 64 : index
    %swap3A_90 = vector.load %arg3[%swap3A_87, %swap3A_88, %swap3A_89] : memref<4x2048x128xf32, #tpu.memory_space<vmem>>, vector<1x2048x50xf32>
    %swap3A_91 = vector.shape_cast %swap3A_90 : vector<1x2048x50xf32> to vector<2048x50xf32>
    %swap3A_92 = vector.shape_cast %transpose3A_86 : vector<2048x50xf32> to vector<1x2048x50xf32>
    tpu.vector_store %arg3[%swap3A_87, %swap3A_88, %swap3A_89], %swap3A_92 {strides = array<i32>} : memref<4x2048x128xf32, #tpu.memory_space<vmem>>, vector<1x2048x50xf32>,
    return
  }
  func.func @transform_0(%arg0: i32, %arg1: i32) -> (i32, i32, i32) {
    %c0_i32 = arith.constant 0 : i32
    %c0_i32_0 = arith.constant 0 : i32
    return %c0_i32, %arg0, %arg1 : i32, i32, i32
  }
  func.func @transform_1(%arg0: i32, %arg1: i32) -> (i32, i32, i32) {
    %c0_i32 = arith.constant 0 : i32
    %c0_i32_0 = arith.constant 0 : i32
    return %arg0, %arg1, %c0_i32 : i32, i32, i32
  }
}

</mosaic_0001>

<sc_bundles>
// kernel: kernel.10.cloned.1.call-start
scs
__scs_entry_jumppad:
0x0: {  	(pc) =	sbr.rel $0x88, $3  }
0x1: {  	(tag) =	ssettag $0x0;
	lr =	simm.s32 $0x1  }
0x2: {  	[smem:$0x3FA0] =	sst lr;
	_ =	strace $0xD0000000  }
0x3: {  	_ = 	snop  }
0x4: {  	_ = 	snop  }
0x5: {  	_ = 	snop  }
0x6: {  	_ = 	snop  }
0x7: {  	_ = 	snop  }
__scs_overlays_trampoline_lowered:
0x8: {  	[smem:$0x3FAF] =	sst s0  }
0x9: {  	[smem:$0x3FB0] =	sst s1  }
0xa: {  	[smem:$0x3FB1] =	sst s2  }
0xb: {  	[smem:$0x3FB2] =	sst s3  }
0xc: {  	[smem:$0x3FB3] =	sst s4  }
0xd: {  	[smem:$0x3FB4] =	sst s5  }
0xe: {  	[smem:$0x3FB5] =	sst s6  }
0xf: {  	[smem:$0x3FB6] =	sst s7  }
0x10: {  	[smem:$0x3FB7] =	sst s8  }
0x11: {  	[smem:$0x3FB8] =	sst s9;
	s0 =	simm.s32 @!p0 $0x0  }
0x12: {  	s1 =	sld [smem:$0x3F9E];
	s0 =	simm.s32 @p0 $0x1  }
0x13: {  	[smem:$0x3FB9] =	sst s0;
	s0 =	simm.s32 @!p1 $0x0  }
0x14: {  	s2 =	sld [smem:$0x3F9D];
	s0 =	simm.s32 @p1 $0x1  }
0x15: {  	[smem:$0x3FBA] =	sst s0;
	s0 =	simm.s32 @!p2 $0x0  }
0x16: {  	s3 =	sld [smem:$0x3FDB];
	s0 =	simm.s32 @p2 $0x1  }
0x17: {  	s4 =	simm.s32 $0x1BF5;
	[smem:$0x3FBC] =	sst s0  }
0x18: {  	s0 =	sld [smem:$0x3F9F];
	_ =	swait.ge [sflag:s4], $0x0  }
0x19: {  	s7 =	sld [smem:$0x3FA0]  }
0x1a: {  	s8 =	sadd.s32 $0xFFFFE003, lr  }
0x1b: {  	s9 =	sadd.s32 $0xFFFFFEF7, lr;
	s5 =	simm.s32 $0xFFFFFFFF;
	p2 =	slt.u32 s8, $0xFFFFF086  }
0x1c: {  	p1 =	slt.u32 s9, $0xF7A;
	s5 =	simm.s32 @!p2 $0x0  }
0x1d: {  	s5 =	simm.s32 @p1 $0x1;
	p0 =	seq.s32 s7, s2  }
0x1e: {  	s7 =	smul.u32 @!p0 $0xF7A, s2;
	p2 =	seq.s32 @!p0 s5, $0x0  }
0x1f: {  	s9 =	smul.u32 $0xF7A, s1;
	s8 =	simm.s32 @!p0 $0x1BF5;
	p2 =	por !p2, p0  }
0x20: {  	[sflag:s8] =	ssyncset.s32 @!p0 $0xFFFFF086;
	s6 =	sadd.s32 @!p0 s3, s7;
	s7 =	simm.s32 @!p0 $0x108  }
0x21: {  	s3 =	sadd.s32 s3, s9;
	s6 =	sadd.s32 @!p0 $0x88, s6;
	s7 =	simm.s32 @p2 $0x1082  }
0x22: {  	[simem:s7], [sflag:s8] =	dma.local @!p0 [hbm:s6], $0xF7A  }
0x23: {  	s9 =	sor.u32 $0xD0000000, s2;
	s6 =	simm.s32 $0x108;
	_ =	swait.ge @!p0 [sflag:s8], $0x0  }
0x24: {  	s3 =	sadd.s32 $0x88, s3;
	s6 =	simm.s32 @!p1 $0x1082;
	[sflag:s4] =	ssyncset.s32 $0xFFFFF086  }
0x25: {  	[simem:s6], [sflag:s4] =	dma.local [hbm:s3], $0xF7A  }
0x26: {  	[smem:$0x3FA0] =	sst s1;
	(tag) =	ssettag s2;
	_ =	strace s9  }
0x27: {  	s1 =	sld [smem:$0x3FB0]  }
0x28: {  	s2 =	sld [smem:$0x3FB1]  }
0x29: {  	s4 =	sld [smem:$0x3FB3]  }
0x2a: {  	p0 =	seq.s32 s5, $0x0;
	s5 =	sld [smem:$0x3FB4]  }
0x2b: {  	s6 =	sld [smem:$0x3FB5]  }
0x2c: {  	s7 =	sld [smem:$0x3FB6]  }
0x2d: {  	s3 =	simm.s32 $0x108;
	s8 =	sld [smem:$0x3FB7]  }
0x2e: {  	s3 =	simm.s32 @!p0 $0x1082;
	s9 =	sld [smem:$0x3FB8]  }
0x2f: {  	lr =	sadd.s32 s0, s3;
	s0 =	sld [smem:$0x3FAF]  }
0x30: {  	s3 =	sld [smem:$0x3FB2]  }
0x31: {  	[smem:$0x3FBB] =	sst s10  }
0x32: {  	s10 =	sld [smem:$0x3FB9];
	_ =	sdelay $0x3  }
0x33: {  	p0 =	seq.s32 s10, $0x1;
	s10 =	sld [smem:$0x3FBB];
	_ =	sdelay $0x3  }
0x34: {  	[smem:$0x3FBB] =	sst s10  }
0x35: {  	s10 =	sld [smem:$0x3FBA];
	_ =	sdelay $0x3  }
0x36: {  	p1 =	seq.s32 s10, $0x1;
	s10 =	sld [smem:$0x3FBB];
	_ =	sdelay $0x3  }
0x37: {  	[smem:$0x3FBB] =	sst s10  }
0x38: {  	s10 =	sld [smem:$0x3FBC]  }
0x39: {  	_ = 	snop;
	(pc) =	sbr.ind lr, $3  }
0x3a: {  	_ = 	snop  }
0x3b: {  	_ = 	snop  }
0x3c: {  	p2 =	seq.s32 s10, $0x1;
	s10 =	sld [smem:$0x3FBB]  }
0x3d: {  	_ =	shalt  }
0x3e: {  	_ =	shalt  }
0x3f: {  	_ =	shalt  }
0x40: {  	_ =	shalt  }
0x41: {  	_ =	shalt  }
0x42: {  	_ =	shalt  }
0x43: {  	_ =	shalt  }
0x44: {  	_ =	shalt  }
0x45: {  	_ =	shalt  }
0x46: {  	_ =	shalt  }
0x47: {  	_ =	shalt  }
0x48: {  	_ =	shalt  }
0x49: {  	_ =	shalt  }
0x4a: {  	_ =	shalt  }
0x4b: {  	_ =	shalt  }
0x4c: {  	_ =	shalt  }
0x4d: {  	_ =	shalt  }
0x4e: {  	_ =	shalt  }
0x4f: {  	_ =	shalt  }
0x50: {  	_ =	shalt  }
0x51: {  	_ =	shalt  }
0x52: {  	_ =	shalt  }
0x53: {  	_ =	shalt  }
0x54: {  	_ =	shalt  }
0x55: {  	_ =	shalt  }
0x56: {  	_ =	shalt  }
0x57: {  	_ =	shalt  }
0x58: {  	_ =	shalt  }
0x59: {  	_ =	shalt  }
0x5a: {  	_ =	shalt  }
0x5b: {  	_ =	shalt  }
0x5c: {  	_ =	shalt  }
0x5d: {  	_ =	shalt  }
0x5e: {  	_ =	shalt  }
0x5f: {  	_ =	shalt  }
0x60: {  	_ =	shalt  }
0x61: {  	_ =	shalt  }
0x62: {  	_ =	shalt  }
0x63: {  	_ =	shalt  }
0x64: {  	_ =	shalt  }
0x65: {  	_ =	shalt  }
0x66: {  	_ =	shalt  }
0x67: {  	_ =	shalt  }
0x68: {  	_ =	shalt  }
0x69: {  	_ =	shalt  }
0x6a: {  	_ =	shalt  }
0x6b: {  	_ =	shalt  }
0x6c: {  	_ =	shalt  }
0x6d: {  	_ =	shalt  }
0x6e: {  	_ =	shalt  }
0x6f: {  	_ =	shalt  }
0x70: {  	_ =	shalt  }
0x71: {  	_ =	shalt  }
0x72: {  	_ =	shalt  }
0x73: {  	_ =	shalt  }
0x74: {  	_ =	shalt  }
0x75: {  	_ =	shalt  }
0x76: {  	_ =	shalt  }
0x77: {  	_ =	shalt  }
0x78: {  	_ =	shalt  }
0x79: {  	_ =	shalt  }
0x7a: {  	_ =	shalt  }
0x7b: {  	_ =	shalt  }
0x7c: {  	_ =	shalt  }
0x7d: {  	_ =	shalt  }
0x7e: {  	_ =	shalt  }
0x7f: {  	_ =	shalt  }
0x80: {  	_ =	shalt  }
0x81: {  	_ =	shalt  }
0x82: {  	_ =	shalt  }
0x83: {  	_ =	shalt  }
0x84: {  	_ =	shalt  }
0x85: {  	_ =	shalt  }
0x86: {  	_ =	shalt  }
0x87: {  	_ =	shalt  }
.Lfunc_end0:
.L_simem_size_0:
called_computation.1_lowered:
.L_overlay_start_0:
0x88: {  	s2 =	sld [smem:$0x3FD9]  }
0x89: {  	s3 =	sld [smem:$0x3FFE];
	_ =	sdelay $0x1  }
0x8a: {  	s1 =	srdreg.scid  }
0x8b: {  	s0 =	sand.u32 $0x1, s1  }
0x8c: {  	s14 =	sshll.u32 s0, $0xA;
	s2 =	sadd.s32 s3, s2  }
0x8d: {  	s2 =	sadd.s32 s2, s14  }
0x8e: {  	[smem:$0x3FC7] =	sst s2  }
0x8f: {  	_ = 	snop  }
0x90: {  	s2 =	sld [smem:$0x3FD0];
	_ =	sdelay $0x2  }
0x91: {  	s15 =	simm.s32 $0xB;
	s4 =	simm.s32 $0x10  }
0x92: {  	[smem:s4], [sflag:s15] =	dma.local [hbm:s2], $0x1  }
0x93: {  	_ =	swait.eq [sflag:s15], $0x1  }
0x94: {  	[sflag:s15] =	ssyncset.done $0x0  }
0x95: {  	[sflag:s15] =	ssyncadd.s32 $0xFFFFFFFF  }
0x96: {  	s16 =	sld [smem:$0x13];
	(tm) =	ssettm $0x1  }
0x97: {  	s17 =	sld [smem:$0x3FFB];
	_ =	sdelay $0x3  }
0x98: {  	_ =	strace s17  }
0x99: {  	s3 =	sld [smem:$0x3FFC];
	_ =	sdelay $0x3  }
0x9a: {  	_ =	strace s3  }
0x9b: {  	s3 =	sld [smem:$0x3FFD];
	_ =	sdelay $0x3  }
0x9c: {  	_ =	strace s3  }
0x9d: {  	_ =	strace $0x8FFFFFFF  }
0x9e: {  	s18 =	sld [smem:$0x3FDB];
	_ =	sdelay $0x1  }
0x9f: {  	s19 =	simm.s32 $_scs_section_size  }
0xa0: {  	s5 =	simm.s32 $_size__tile_overlayer_lowered;
	s6 =	simm.s32 $_tile_overlayer_lowered  }
0xa1: {  	s22 =	simm.s32 $0x1BFF;
	s21 =	sshll.u32 s6, $0x1;
	s3 =	sadd.s32 s19, s18  }
0xa2: {  	s7 =	simm.s32 $0x0;
	s20 =	sshll.u32 s5, $0x1;
	s5 =	sadd.s32 s21, s3  }
0xa3: {  	[timem:s7], [sflag:s22] =	dma.local [hbm:s5], s20  }
0xa4: {  	_ =	swait.ge [sflag:s22], s20  }
0xa5: {  	s4 =	ssub.s32 $0x0, s20;
	[sflag:s22] =	ssyncset.done $0x0  }
0xa6: {  	[sflag:s22] =	ssyncadd.s32 s4;
	_ =	sdelay $0x1  }
0xa7: {  	s23 =	simm.s32 $0x1B8B  }
0xa8: {  	_ =	swait.ge [sflag:s23], $0x1  }
0xa9: {  	[sflag:s23] =	ssyncset.done $0x0  }
0xaa: {  	s25 =	simm.s32 $0x1B8E;
	s24 =	sld [smem:$0x3FFE];
	[sflag:s23] =	ssyncadd.s32 $0xFFFFFFFF  }
0xab: {  	s26 =	simm.s32 $execute0_lowered;
	[smem:$0x3FD2] =	sst s25  }
0xac: {  	s5 =	sshll.u32 s26, $0x1;
	_ =	strace $0x80000046;
	[dreg:$0x1] =	wrdreg $0xFFFFFFFF  }
0xad: {  	s28 =	simm.s32 $_size_execute0_lowered;
	s3 =	sadd.s32 s3, s5;
	[dreg:$0x0] =	wrdreg $0x0  }
0xae: {  	s5 =	sshll.u32 s28, $0x1;
	[dreg:$0x2] =	wrdreg s3  }
0xaf: {  	[dreg:$0x3] =	wrdreg s5  }
0xb0: {  	[dreg:$0x4] =	wrdreg $0xC0  }
0xb1: {  	_ =	task [dreg:s7], $0x5FFFF  }
0xb2: {  	[dreg:$0x1] =	wrdreg $0xFFFFFFFF  }
0xb3: {  	[dreg:$0x0] =	wrdreg $0x60  }
0xb4: {  	[dreg:$0x2] =	wrdreg s24  }
0xb5: {  	[dreg:$0x3] =	wrdreg s16  }
0xb6: {  	[dreg:$0x4] =	wrdreg $0xA  }
0xb7: {  	_ =	task.clear_ibuf [dreg:s7], $0x5FFFF;
	_ =	strace $0x90000046  }
0xb8: {  	s29 =	simm.s32 $0xA;
	_ =	strace $0x80000048  }
0xb9: {  	_ =	swait.ge [sflag:s29], $0x1  }
0xba: {  	[sflag:s29] =	ssyncadd.s32 $0xFFFFFFFF  }
0xbb: {  	_ =	strace $0x90000048  }
0xbc: {  	_ =	sfence  }
0xbd: {  	s30 =	sld [smem:$0x0];
	_ =	sdelay $0x2  }
0xbe: {  	s31 =	sshll.u32 s1, $0xD;
	s1 =	sshrl.u32 s1, $0x2  }
0xbf: {  	s3 =	sand.u32 $0x4000, s31;
	s1 =	sadd.s32 s1, s30  }
0xc0: {  	s0 =	sor.u32 s3, s0;
	s1 =	sshll.u32 s1, $0x11  }
0xc1: {  	s0 =	sor.u32 s1, s0  }
0xc2: {  	s0 =	sadd.s32 $0x8F2B, s0  }
0xc3: {  	[sflag:s0] =	ssyncadd.remote.s32 $0x1  }
0xc4: {  	_ =	sfence.sel $0xFFFF  }
0xc5: {  	[dreg:$0x0] =	wrdreg $0xFFFFFFFF;
	(pc) =	sbr.abs _section_cstart, $3  }
0xc6: {  	[dreg:$0x1] =	wrdreg $0xFFFFFFFF  }
0xc7: {  	_ =	task.clear_ibuf [dreg:s7], $0x2FFFF;
	_ =	strace $0x9FFFFFFF  }
0xc8: {  	(tm) =	ssettm $0x7FFFFFFF  }
0xc9: {  	_ =	shalt  }
tec
execute0_lowered:
.L_overlay_start_1:
0x0: {  	(tag) =	ssettag $0x1  }
0x1: {  	s0 =	rddreg [dreg:$0x0]  }
0x2: {  	s4 =	rddreg [dreg:$0x1];
	s1 =	simm.s32 $0x0  }
0x3: {  	s5 =	srdreg.scid;
	s2 =	stileid.u32;
	s11 =	simm.s32 $0x2000  }
0x4: {  	s15 =	simm.s32 $0x180;
	s16 =	simm.s32 $0x8000;
	s17 =	simm.s32 $0x1  }
0x5: {  	s18 =	simm.s32 $0x200;
	s19 =	simm.s32 $0xA000;
	s20 =	simm.s32 $0x280  }
0x6: {  	s21 =	simm.s32 $0xC000;
	s22 =	simm.s32 $0x300;
	s23 =	simm.s32 $0xE000  }
0x7: {  	s24 =	simm.s32 $0x380;
	s25 =	simm.s32 $0x2;
	s26 =	simm.s32 $0x0  }
0x8: {  	[smem:$0x7FF] =	sst s1;
	s3 =	sadd.s32 $0x1200, s0;
	s5 =	sand.u32 $0x1, s5  }
0x9: {  	s7 =	sshll.u32 s2, $0xE;
	s0 =	sadd.s32 $0x201200, s0;
	s30 =	sshll.u32 s2, $0x11  }
0xa: {  	_ =	strace $0x80000047;
	s6 =	ssub.s32 $0x2, s5;
	s8 =	sshll.u32 s5, $0xD  }
0xb: {  	s10 =	sshll.u32 s5, $0x10;
	s9 =	sshrl.u32 s6, $0x1;
	s7 =	sor.u32 s8, s7  }
0xc: {  	s6 =	ssub.s32 s6, s9;
	s8 =	sshrl.u32 s7, $0x3;
	s7 =	sshll.u32 s7, $0x3  }
0xd: {  	s9 =	sadd.s32 s30, s0;
	s4 =	sadd.s32 s4, s8;
	s5 =	sadd.s32 s0, s7  }
0xe: {  	s31 =	sadd.s32 s10, s9;
	s6 =	smax.u32 s6, $0x1;
	s9 =	simm.s32 $0x3  }
0xf: {  	s10 =	simm.s32 $0x80;
	s7 =	sadd.s32 $0x1000, s5;
	s0 =	sadd.s32 $0x2000, s31  }
.LBB2_1:
0x10: {  	[tilespmem:s1], [sflag:$0x3] =	stream.linear.gather [hbm4b:s4+s1], $0x2000, $0x38;
	[tilespmem:$0x12000] =	vst v63  }
0x11: {  	_ =	swait.ge [sflag:s9], $0x2000  }
0x12: {  	[sflag:s9] =	ssyncset.done $0x0  }
0x13: {  	[sflag:s9] =	ssyncadd.s32 $0xFFFFE000  }
0x14: {  	[tilespmem:s11], [sflag:$0x1] =	stream.indirect.gather [hbm4b:s3+s10], $0x40, s1, s10, $0xb8;
	[tilespmem:$0x12000] =	vst v63  }
0x15: {  	s2 =	simm.s32 $0x4000  }
0x16: {  	[tilespmem:s2], [sflag:$0x1] =	stream.indirect.gather [hbm4b:s3+s10], $0x40, s10, s10, $0xb8;
	[tilespmem:$0x12000] =	vst v63  }
0x17: {  	s13 =	simm.s32 $0x100;
	s8 =	simm.s32 $0x6000  }
0x18: {  	[tilespmem:s8], [sflag:$0x1] =	stream.indirect.gather [hbm4b:s3+s10], $0x40, s13, s10, $0xb8;
	[tilespmem:$0x12000] =	vst v63  }
0x19: {  	_ = 	snop  }
0x1a: {  	[tilespmem:s16], [sflag:$0x1] =	stream.indirect.gather [hbm4b:s3+s10], $0x40, s15, s10, $0xb8;
	[tilespmem:$0x12000] =	vst v63  }
0x1b: {  	_ =	swait.ge [sflag:s17], $0x2000  }
0x1c: {  	[sflag:s17] =	ssyncset.done $0x0  }
0x1d: {  	[sflag:s17] =	ssyncadd.s32 $0xFFFFE000  }
0x1e: {  	_ =	swait.ge [sflag:s17], $0x2000  }
0x1f: {  	[sflag:s17] =	ssyncset.done $0x0  }
0x20: {  	[sflag:s17] =	ssyncadd.s32 $0xFFFFE000  }
0x21: {  	_ =	swait.ge [sflag:s17], $0x2000  }
0x22: {  	[sflag:s17] =	ssyncset.done $0x0  }
0x23: {  	[sflag:s17] =	ssyncadd.s32 $0xFFFFE000  }
0x24: {  	_ =	swait.ge [sflag:s17], $0x2000  }
0x25: {  	[sflag:s17] =	ssyncset.done $0x0  }
0x26: {  	[sflag:s17] =	ssyncadd.s32 $0xFFFFE000  }
0x27: {  	[hbm4b:s5+s1] =	stream.linear.scatter [tilespmem:s11], [sflag:$0x2], $0x8000, $0x38;
	[tilespmem:$0x12000] =	vst v63  }
0x28: {  	_ = 	snop  }
0x29: {  	[tilespmem:s19], [sflag:$0x1] =	stream.indirect.gather [hbm4b:s3+s10], $0x40, s18, s10, $0xb8;
	[tilespmem:$0x12000] =	vst v63  }
0x2a: {  	_ = 	snop  }
0x2b: {  	[tilespmem:s21], [sflag:$0x1] =	stream.indirect.gather [hbm4b:s3+s10], $0x40, s20, s10, $0xb8;
	[tilespmem:$0x12000] =	vst v63  }
0x2c: {  	_ = 	snop  }
0x2d: {  	[tilespmem:s23], [sflag:$0x1] =	stream.indirect.gather [hbm4b:s3+s10], $0x40, s22, s10, $0xb8;
	[tilespmem:$0x12000] =	vst v63  }
0x2e: {  	s14 =	simm.s32 $0x10000  }
0x2f: {  	[tilespmem:s14], [sflag:$0x1] =	stream.indirect.gather [hbm4b:s3+s10], $0x40, s24, s10, $0xb8;
	[tilespmem:$0x12000] =	vst v63  }
0x30: {  	_ =	swait.ge [sflag:s17], $0x2000  }
0x31: {  	[sflag:s17] =	ssyncset.done $0x0  }
0x32: {  	[sflag:s17] =	ssyncadd.s32 $0xFFFFE000  }
0x33: {  	_ =	swait.ge [sflag:s17], $0x2000  }
0x34: {  	[sflag:s17] =	ssyncset.done $0x0  }
0x35: {  	[sflag:s17] =	ssyncadd.s32 $0xFFFFE000  }
0x36: {  	_ =	swait.ge [sflag:s17], $0x2000  }
0x37: {  	[sflag:s17] =	ssyncset.done $0x0  }
0x38: {  	[sflag:s17] =	ssyncadd.s32 $0xFFFFE000  }
0x39: {  	_ =	swait.ge [sflag:s17], $0x2000  }
0x3a: {  	[sflag:s17] =	ssyncset.done $0x0  }
0x3b: {  	[sflag:s17] =	ssyncadd.s32 $0xFFFFE000  }
0x3c: {  	[hbm4b:s7+s1] =	stream.linear.scatter [tilespmem:s19], [sflag:$0x2], $0x8000, $0x38;
	[tilespmem:$0x12000] =	vst v63  }
0x3d: {  	_ =	swait.ge [sflag:s25], $0x8000  }
0x3e: {  	s8 =	sand.u32 $0x8000, s14;
	[sflag:s25] =	ssyncset.done $0x0  }
0x3f: {  	s29 =	simm.s32 $0x400;
	s28 =	sor.u32 $0x2000, s8;
	[sflag:s25] =	ssyncadd.s32 $0xFFFF8000  }
0x40: {  	[tilespmem:s28], [sflag:$0x1] =	stream.indirect.gather [hbm4b:s3+s10], $0x40, s29, s10, $0xb8;
	[tilespmem:$0x12000] =	vst v63  }
0x41: {  	s30 =	simm.s32 $0x480;
	s29 =	sor.u32 $0x4000, s8  }
0x42: {  	[tilespmem:s29], [sflag:$0x1] =	stream.indirect.gather [hbm4b:s3+s10], $0x40, s30, s10, $0xb8;
	[tilespmem:$0x12000] =	vst v63  }
0x43: {  	s29 =	sor.u32 $0x6000, s8;
	s30 =	simm.s32 $0x500  }
0x44: {  	[tilespmem:s29], [sflag:$0x1] =	stream.indirect.gather [hbm4b:s3+s10], $0x40, s30, s10, $0xb8;
	[tilespmem:$0x12000] =	vst v63  }
0x45: {  	s8 =	sadd.s32 $0x8000, s8;
	s29 =	simm.s32 $0x580  }
0x46: {  	[tilespmem:s8], [sflag:$0x1] =	stream.indirect.gather [hbm4b:s3+s10], $0x40, s29, s10, $0xb8;
	[tilespmem:$0x12000] =	vst v63  }
0x47: {  	_ =	swait.ge [sflag:s17], $0x2000  }
0x48: {  	[sflag:s17] =	ssyncset.done $0x0  }
0x49: {  	[sflag:s17] =	ssyncadd.s32 $0xFFFFE000  }
0x4a: {  	_ =	swait.ge [sflag:s17], $0x2000  }
0x4b: {  	[sflag:s17] =	ssyncset.done $0x0  }
0x4c: {  	[sflag:s17] =	ssyncadd.s32 $0xFFFFE000  }
0x4d: {  	_ =	swait.ge [sflag:s17], $0x2000  }
0x4e: {  	[sflag:s17] =	ssyncset.done $0x0  }
0x4f: {  	[sflag:s17] =	ssyncadd.s32 $0xFFFFE000  }
0x50: {  	_ =	swait.ge [sflag:s17], $0x2000  }
0x51: {  	s31 =	simm.s32 $0x18000;
	s30 =	sadd.s32 $0x1000, s0;
	[sflag:s17] =	ssyncset.done $0x0  }
0x52: {  	s29 =	simm.s32 $0x800;
	s8 =	smov.u32 s0;
	[sflag:s17] =	ssyncadd.s32 $0xFFFFE000  }
.LBB2_2:
0x53: {  	[hbm4b:s8+s1] =	stream.linear.scatter [tilespmem:s28], [sflag:$0x2], $0x8000, $0x38;
	[tilespmem:$0x12000] =	vst v63  }
0x54: {  	s28 =	smov.u32 s29;
	s8 =	smov.u32 s30  }
0x55: {  	p0 =	sne.s32 s29, $0x6800;
	s29 =	sadd.s32 $0x800, s29;
	_ =	swait.ge [sflag:s25], $0x8000  }
0x56: {  	s2 =	sand.u32 $0x8000, s31;
	s12 =	sshra.s32 s28, $0x2;
	[sflag:s25] =	ssyncset.done $0x0  }
0x57: {  	s28 =	sor.u32 $0x2000, s2;
	s13 =	sadd.s32 $0x400, s12;
	[sflag:s25] =	ssyncadd.s32 $0xFFFF8000  }
0x58: {  	[tilespmem:s28], [sflag:$0x1] =	stream.indirect.gather [hbm4b:s3+s10], $0x40, s13, s10, $0xb8;
	[tilespmem:$0x12000] =	vst v63  }
0x59: {  	s14 =	sadd.s32 $0x480, s12;
	s13 =	sor.u32 $0x4000, s2  }
0x5a: {  	[tilespmem:s13], [sflag:$0x1] =	stream.indirect.gather [hbm4b:s3+s10], $0x40, s14, s10, $0xb8;
	[tilespmem:$0x12000] =	vst v63  }
0x5b: {  	s13 =	sor.u32 $0x6000, s2;
	s14 =	sadd.s32 $0x500, s12  }
0x5c: {  	[tilespmem:s13], [sflag:$0x1] =	stream.indirect.gather [hbm4b:s3+s10], $0x40, s14, s10, $0xb8;
	[tilespmem:$0x12000] =	vst v63  }
0x5d: {  	s2 =	sadd.s32 $0x8000, s2;
	s12 =	sadd.s32 $0x580, s12  }
0x5e: {  	[tilespmem:s2], [sflag:$0x1] =	stream.indirect.gather [hbm4b:s3+s10], $0x40, s12, s10, $0xb8;
	[tilespmem:$0x12000] =	vst v63  }
0x5f: {  	_ =	swait.ge [sflag:s17], $0x2000  }
0x60: {  	[sflag:s17] =	ssyncset.done $0x0  }
0x61: {  	[sflag:s17] =	ssyncadd.s32 $0xFFFFE000  }
0x62: {  	_ =	swait.ge [sflag:s17], $0x2000  }
0x63: {  	[sflag:s17] =	ssyncset.done $0x0  }
0x64: {  	[sflag:s17] =	ssyncadd.s32 $0xFFFFE000  }
0x65: {  	_ =	swait.ge [sflag:s17], $0x2000  }
.Ltmp0:
0x66: {  	[sflag:s17] =	ssyncset.done $0x0;
	(pc) =	sbr.rel @p0 .LBB2_2-.Ltmp0, $4  }
0x67: {  	[sflag:s17] =	ssyncadd.s32 $0xFFFFE000  }
0x68: {  	_ =	swait.ge [sflag:s17], $0x2000  }
0x69: {  	[sflag:s17] =	ssyncset.done $0x0  }
0x6a: {  	s30 =	sadd.s32 $0x1000, s30;
	s31 =	sadd.s32 $0x8000, s31;
	[sflag:s17] =	ssyncadd.s32 $0xFFFFE000  }
0x6b: {  	[hbm4b:s8+s1] =	stream.linear.scatter [tilespmem:s28], [sflag:$0x2], $0x8000, $0x38;
	[tilespmem:$0x12000] =	vst v63  }
0x6c: {  	s26 =	sadd.s32 $0x1, s26  }
0x6d: {  	_ =	swait.ge [sflag:s25], $0x8000;
	p0 =	sne.s32 s26, s6  }
.Ltmp1:
0x6e: {  	[sflag:s25] =	ssyncset.done $0x0;
	(pc) =	sbr.rel @p0 .LBB2_1-.Ltmp1, $4  }
0x6f: {  	[sflag:s25] =	ssyncadd.s32 $0xFFFF8000  }
0x70: {  	_ =	swait.ge [sflag:s25], $0x8000  }
0x71: {  	[sflag:s25] =	ssyncset.done $0x0  }
0x72: {  	[sflag:s25] =	ssyncadd.s32 $0xFFFF8000  }
0x73: {  	_ =	sfence.sel $0x180000  }
0x74: {  	[bflag:$0x0] =	sbarrier.arrive $0xFFFF  }
0x75: {  	_ =	strace $0x90000047  }
0x76: {  	s0 =	stileid.u32;
	[bflag:$0x2] =	sbarrier.arrive $0xFFFF  }
0x77: {  	p0 =	sne.s32 s0, $0x0;
	s0 =	rddreg [dreg:$0x2]  }
0x78: {  	s0 =	sadd.s32 @!p0 $0x100000, s0  }
0x79: {  	[sflag:s0] =	ssyncadd.tile.s32 @!p0 $0x1;
	_ =	shalt  }
.Lfunc_end2:
_tile_overlayer_lowered:
.L_overlay_start_2:
0x7a: {  	(tag) =	ssettag $0x2  }
0x7b: {  	s0 =	rddreg [dreg:$0x0];
	s2 =	stileid.u32  }
0x7c: {  	s1 =	rddreg [dreg:$0x1];
	p0 =	sne.s32 s2, $0x0  }
0x7d: {  	s3 =	rddreg [dreg:$0x2];
	[bflag:$0x3] =	sbarrier.arrive $0xFFFF;
	s2 =	simm.s32 @!p0 $0x1C03  }
0x7e: {  	[timem:s3], [sflag:s2] =	dma.local @!p0 [hbm:s0], s1  }
0x7f: {  	s0 =	simm.s32 @!p0 $0x3  }
0x80: {  	_ =	swait.ge @!p0 [sflag:s0], s1  }
0x81: {  	s1 =	ssub.s32 @!p0 $0x0, s1;
	[sflag:s0] =	ssyncset.done @!p0 $0x0  }
0x82: {  	[sflag:s0] =	ssyncadd.s32 @!p0 s1  }
0x83: {  	[bflag:$0x3] =	sbarrier.arrive $0xFFFF  }
0x84: {  	_ =	shalt  }

// kernel: kernel.7.cloned.1.call-start
scs
__scs_entry_jumppad:
0x0: {  	(pc) =	sbr.rel $0x88, $3  }
0x1: {  	(tag) =	ssettag $0x0;
	lr =	simm.s32 $0x1  }
0x2: {  	[smem:$0x3FA0] =	sst lr;
	_ =	strace $0xD0000000  }
0x3: {  	_ = 	snop  }
0x4: {  	_ = 	snop  }
0x5: {  	_ = 	snop  }
0x6: {  	_ = 	snop  }
0x7: {  	_ = 	snop  }
__scs_overlays_trampoline_lowered:
0x8: {  	[smem:$0x3FAF] =	sst s0  }
0x9: {  	[smem:$0x3FB0] =	sst s1  }
0xa: {  	[smem:$0x3FB1] =	sst s2  }
0xb: {  	[smem:$0x3FB2] =	sst s3  }
0xc: {  	[smem:$0x3FB3] =	sst s4  }
0xd: {  	[smem:$0x3FB4] =	sst s5  }
0xe: {  	[smem:$0x3FB5] =	sst s6  }
0xf: {  	[smem:$0x3FB6] =	sst s7  }
0x10: {  	[smem:$0x3FB7] =	sst s8  }
0x11: {  	[smem:$0x3FB8] =	sst s9;
	s0 =	simm.s32 @!p0 $0x0  }
0x12: {  	s1 =	sld [smem:$0x3F9E];
	s0 =	simm.s32 @p0 $0x1  }
0x13: {  	[smem:$0x3FB9] =	sst s0;
	s0 =	simm.s32 @!p1 $0x0  }
0x14: {  	s2 =	sld [smem:$0x3F9D];
	s0 =	simm.s32 @p1 $0x1  }
0x15: {  	[smem:$0x3FBA] =	sst s0;
	s0 =	simm.s32 @!p2 $0x0  }
0x16: {  	s3 =	sld [smem:$0x3FDB];
	s0 =	simm.s32 @p2 $0x1  }
0x17: {  	s4 =	simm.s32 $0x1BF5;
	[smem:$0x3FBC] =	sst s0  }
0x18: {  	s0 =	sld [smem:$0x3F9F];
	_ =	swait.ge [sflag:s4], $0x0  }
0x19: {  	s7 =	sld [smem:$0x3FA0]  }
0x1a: {  	s8 =	sadd.s32 $0xFFFFE003, lr  }
0x1b: {  	s9 =	sadd.s32 $0xFFFFFEF7, lr;
	s5 =	simm.s32 $0xFFFFFFFF;
	p2 =	slt.u32 s8, $0xFFFFF086  }
0x1c: {  	p1 =	slt.u32 s9, $0xF7A;
	s5 =	simm.s32 @!p2 $0x0  }
0x1d: {  	s5 =	simm.s32 @p1 $0x1;
	p0 =	seq.s32 s7, s2  }
0x1e: {  	s7 =	smul.u32 @!p0 $0xF7A, s2;
	p2 =	seq.s32 @!p0 s5, $0x0  }
0x1f: {  	s9 =	smul.u32 $0xF7A, s1;
	s8 =	simm.s32 @!p0 $0x1BF5;
	p2 =	por !p2, p0  }
0x20: {  	[sflag:s8] =	ssyncset.s32 @!p0 $0xFFFFF086;
	s6 =	sadd.s32 @!p0 s3, s7;
	s7 =	simm.s32 @!p0 $0x108  }
0x21: {  	s3 =	sadd.s32 s3, s9;
	s6 =	sadd.s32 @!p0 $0x88, s6;
	s7 =	simm.s32 @p2 $0x1082  }
0x22: {  	[simem:s7], [sflag:s8] =	dma.local @!p0 [hbm:s6], $0xF7A  }
0x23: {  	s9 =	sor.u32 $0xD0000000, s2;
	s6 =	simm.s32 $0x108;
	_ =	swait.ge @!p0 [sflag:s8], $0x0  }
0x24: {  	s3 =	sadd.s32 $0x88, s3;
	s6 =	simm.s32 @!p1 $0x1082;
	[sflag:s4] =	ssyncset.s32 $0xFFFFF086  }
0x25: {  	[simem:s6], [sflag:s4] =	dma.local [hbm:s3], $0xF7A  }
0x26: {  	[smem:$0x3FA0] =	sst s1;
	(tag) =	ssettag s2;
	_ =	strace s9  }
0x27: {  	s1 =	sld [smem:$0x3FB0]  }
0x28: {  	s2 =	sld [smem:$0x3FB1]  }
0x29: {  	s4 =	sld [smem:$0x3FB3]  }
0x2a: {  	p0 =	seq.s32 s5, $0x0;
	s5 =	sld [smem:$0x3FB4]  }
0x2b: {  	s6 =	sld [smem:$0x3FB5]  }
0x2c: {  	s7 =	sld [smem:$0x3FB6]  }
0x2d: {  	s3 =	simm.s32 $0x108;
	s8 =	sld [smem:$0x3FB7]  }
0x2e: {  	s3 =	simm.s32 @!p0 $0x1082;
	s9 =	sld [smem:$0x3FB8]  }
0x2f: {  	lr =	sadd.s32 s0, s3;
	s0 =	sld [smem:$0x3FAF]  }
0x30: {  	s3 =	sld [smem:$0x3FB2]  }
0x31: {  	[smem:$0x3FBB] =	sst s10  }
0x32: {  	s10 =	sld [smem:$0x3FB9];
	_ =	sdelay $0x3  }
0x33: {  	p0 =	seq.s32 s10, $0x1;
	s10 =	sld [smem:$0x3FBB];
	_ =	sdelay $0x3  }
0x34: {  	[smem:$0x3FBB] =	sst s10  }
0x35: {  	s10 =	sld [smem:$0x3FBA];
	_ =	sdelay $0x3  }
0x36: {  	p1 =	seq.s32 s10, $0x1;
	s10 =	sld [smem:$0x3FBB];
	_ =	sdelay $0x3  }
0x37: {  	[smem:$0x3FBB] =	sst s10  }
0x38: {  	s10 =	sld [smem:$0x3FBC]  }
0x39: {  	_ = 	snop;
	(pc) =	sbr.ind lr, $3  }
0x3a: {  	_ = 	snop  }
0x3b: {  	_ = 	snop  }
0x3c: {  	p2 =	seq.s32 s10, $0x1;
	s10 =	sld [smem:$0x3FBB]  }
0x3d: {  	_ =	shalt  }
0x3e: {  	_ =	shalt  }
0x3f: {  	_ =	shalt  }
0x40: {  	_ =	shalt  }
0x41: {  	_ =	shalt  }
0x42: {  	_ =	shalt  }
0x43: {  	_ =	shalt  }
0x44: {  	_ =	shalt  }
0x45: {  	_ =	shalt  }
0x46: {  	_ =	shalt  }
0x47: {  	_ =	shalt  }
0x48: {  	_ =	shalt  }
0x49: {  	_ =	shalt  }
0x4a: {  	_ =	shalt  }
0x4b: {  	_ =	shalt  }
0x4c: {  	_ =	shalt  }
0x4d: {  	_ =	shalt  }
0x4e: {  	_ =	shalt  }
0x4f: {  	_ =	shalt  }
0x50: {  	_ =	shalt  }
0x51: {  	_ =	shalt  }
0x52: {  	_ =	shalt  }
0x53: {  	_ =	shalt  }
0x54: {  	_ =	shalt  }
0x55: {  	_ =	shalt  }
0x56: {  	_ =	shalt  }
0x57: {  	_ =	shalt  }
0x58: {  	_ =	shalt  }
0x59: {  	_ =	shalt  }
0x5a: {  	_ =	shalt  }
0x5b: {  	_ =	shalt  }
0x5c: {  	_ =	shalt  }
0x5d: {  	_ =	shalt  }
0x5e: {  	_ =	shalt  }
0x5f: {  	_ =	shalt  }
0x60: {  	_ =	shalt  }
0x61: {  	_ =	shalt  }
0x62: {  	_ =	shalt  }
0x63: {  	_ =	shalt  }
0x64: {  	_ =	shalt  }
0x65: {  	_ =	shalt  }
0x66: {  	_ =	shalt  }
0x67: {  	_ =	shalt  }
0x68: {  	_ =	shalt  }
0x69: {  	_ =	shalt  }
0x6a: {  	_ =	shalt  }
0x6b: {  	_ =	shalt  }
0x6c: {  	_ =	shalt  }
0x6d: {  	_ =	shalt  }
0x6e: {  	_ =	shalt  }
0x6f: {  	_ =	shalt  }
0x70: {  	_ =	shalt  }
0x71: {  	_ =	shalt  }
0x72: {  	_ =	shalt  }
0x73: {  	_ =	shalt  }
0x74: {  	_ =	shalt  }
0x75: {  	_ =	shalt  }
0x76: {  	_ =	shalt  }
0x77: {  	_ =	shalt  }
0x78: {  	_ =	shalt  }
0x79: {  	_ =	shalt  }
0x7a: {  	_ =	shalt  }
0x7b: {  	_ =	shalt  }
0x7c: {  	_ =	shalt  }
0x7d: {  	_ =	shalt  }
0x7e: {  	_ =	shalt  }
0x7f: {  	_ =	shalt  }
0x80: {  	_ =	shalt  }
0x81: {  	_ =	shalt  }
0x82: {  	_ =	shalt  }
0x83: {  	_ =	shalt  }
0x84: {  	_ =	shalt  }
0x85: {  	_ =	shalt  }
0x86: {  	_ =	shalt  }
0x87: {  	_ =	shalt  }
.Lfunc_end0:
.L_simem_size_0:
called_computation_lowered:
.L_overlay_start_0:
0x88: {  	s2 =	sld [smem:$0x3FD9]  }
0x89: {  	s3 =	sld [smem:$0x3FFE];
	_ =	sdelay $0x1  }
0x8a: {  	s1 =	srdreg.scid  }
0x8b: {  	s0 =	sand.u32 $0x1, s1  }
0x8c: {  	s15 =	sshll.u32 s0, $0xA;
	s2 =	sadd.s32 s3, s2  }
0x8d: {  	s2 =	sadd.s32 s2, s15  }
0x8e: {  	[smem:$0x3FC7] =	sst s2  }
0x8f: {  	_ = 	snop  }
0x90: {  	s2 =	sld [smem:$0x3FD0];
	_ =	sdelay $0x2  }
0x91: {  	s16 =	simm.s32 $0xB;
	s4 =	simm.s32 $0x10  }
0x92: {  	[smem:s4], [sflag:s16] =	dma.local [hbm:s2], $0x1  }
0x93: {  	_ =	swait.eq [sflag:s16], $0x1  }
0x94: {  	[sflag:s16] =	ssyncset.done $0x0  }
0x95: {  	[sflag:s16] =	ssyncadd.s32 $0xFFFFFFFF  }
0x96: {  	s17 =	sld [smem:$0x12];
	(tm) =	ssettm $0x1  }
0x97: {  	s18 =	sld [smem:$0x3FFB];
	_ =	sdelay $0x3  }
0x98: {  	_ =	strace s18  }
0x99: {  	s2 =	sld [smem:$0x3FFC];
	_ =	sdelay $0x3  }
0x9a: {  	_ =	strace s2  }
0x9b: {  	s2 =	sld [smem:$0x3FFD];
	_ =	sdelay $0x3  }
0x9c: {  	_ =	strace s2  }
0x9d: {  	_ =	strace $0x8FFFFFFF  }
0x9e: {  	s19 =	sld [smem:$0x3FDB];
	_ =	sdelay $0x1  }
0x9f: {  	s20 =	simm.s32 $_scs_section_size  }
0xa0: {  	s5 =	simm.s32 $_size__tile_overlayer_lowered;
	s6 =	simm.s32 $_tile_overlayer_lowered  }
0xa1: {  	s7 =	simm.s32 $0x1BFF;
	s21 =	sshll.u32 s6, $0x1;
	s4 =	sadd.s32 s20, s19  }
0xa2: {  	s22 =	simm.s32 $0x0;
	s5 =	sshll.u32 s5, $0x1;
	s6 =	sadd.s32 s21, s4  }
0xa3: {  	[timem:s22], [sflag:s7] =	dma.local [hbm:s6], s5  }
0xa4: {  	_ =	swait.ge [sflag:s7], s5  }
0xa5: {  	s5 =	ssub.s32 $0x0, s5;
	[sflag:s7] =	ssyncset.done $0x0  }
0xa6: {  	[sflag:s7] =	ssyncadd.s32 s5;
	_ =	sdelay $0x1  }
0xa7: {  	s23 =	simm.s32 $0x1B8B  }
0xa8: {  	_ =	swait.ge [sflag:s23], $0x1  }
0xa9: {  	[sflag:s23] =	ssyncset.done $0x0  }
0xaa: {  	[sflag:s23] =	ssyncadd.s32 $0xFFFFFFFF  }
0xab: {  	s5 =	sld [smem:$0x0]  }
0xac: {  	s6 =	sand.u32 $0xFFFFFFFE, s1  }
0xad: {  	p0 =	sne.s32 s1, s6  }
0xae: {  	s6 =	sshll.u32 @p0 s6, $0xE  }
0xaf: {  	s6 =	sadd.s32 @p0 $0x11B8D, s6;
	s7 =	sshll.u32 @p0 s5, $0x11  }
0xb0: {  	s6 =	sor.u32 @p0 s7, s6  }
0xb1: {  	[sflag:s6] =	ssyncadd.remote.s32 @p0 $0x1;
	_ =	sdelay $0x1  }
0xb2: {  	s6 =	simm.s32 @p0 $0x1B8D  }
0xb3: {  	_ =	swait.eq @p0 [sflag:s6], $0x1  }
0xb4: {  	[sflag:s6] =	ssyncadd.s32 @p0 $0xFFFFFFFF  }
0xb5: {  	s7 =	sshll.u32 @!p0 s1, $0xE  }
0xb6: {  	s7 =	sor.u32 @!p0 $0x4000, s7;
	s6 =	simm.s32 @!p0 $0x1B8D  }
0xb7: {  	s5 =	sshll.u32 @!p0 s5, $0x11;
	s7 =	sadd.s32 @!p0 $0x11B8D, s7;
	_ =	swait.eq @!p0 [sflag:s6], $0x1  }
0xb8: {  	s5 =	sor.u32 @!p0 s5, s7;
	[sflag:s6] =	ssyncadd.s32 @!p0 $0xFFFFFFFF  }
0xb9: {  	s25 =	simm.s32 $0x1B8E;
	s24 =	sld [smem:$0x3FFE];
	[sflag:s5] =	ssyncadd.remote.s32 @!p0 $0x1  }
0xba: {  	s26 =	simm.s32 $execute0_lowered;
	[smem:$0x3FD2] =	sst s25  }
0xbb: {  	s6 =	sshll.u32 s26, $0x1;
	_ =	strace $0x80000049;
	[dreg:$0x1] =	wrdreg $0xFFFFFFFF  }
0xbc: {  	s28 =	simm.s32 $_size_execute0_lowered;
	s4 =	sadd.s32 s4, s6;
	[dreg:$0x0] =	wrdreg $0x0  }
0xbd: {  	s6 =	sshll.u32 s28, $0x1;
	[dreg:$0x2] =	wrdreg s4  }
0xbe: {  	[dreg:$0x3] =	wrdreg s6  }
0xbf: {  	[dreg:$0x4] =	wrdreg $0xC0  }
0xc0: {  	_ =	task [dreg:s22], $0x5FFFF  }
0xc1: {  	[dreg:$0x1] =	wrdreg $0xFFFFFFFF  }
0xc2: {  	[dreg:$0x0] =	wrdreg $0x60  }
0xc3: {  	[dreg:$0x2] =	wrdreg s24  }
0xc4: {  	[dreg:$0x3] =	wrdreg s17  }
0xc5: {  	[dreg:$0x4] =	wrdreg $0x9  }
0xc6: {  	_ =	task.clear_ibuf [dreg:s22], $0x5FFFF;
	_ =	strace $0x90000049  }
0xc7: {  	s29 =	simm.s32 $0x9;
	_ =	strace $0x8000004B  }
0xc8: {  	_ =	swait.ge [sflag:s29], $0x1  }
0xc9: {  	[sflag:s29] =	ssyncadd.s32 $0xFFFFFFFF  }
0xca: {  	_ =	strace $0x9000004B  }
0xcb: {  	_ =	sfence  }
0xcc: {  	s30 =	sld [smem:$0x0];
	_ =	sdelay $0x2  }
0xcd: {  	s31 =	sshll.u32 s1, $0xD;
	s1 =	sshrl.u32 s1, $0x2  }
0xce: {  	s4 =	sand.u32 $0x4000, s31;
	s1 =	sadd.s32 s1, s30  }
0xcf: {  	s0 =	sor.u32 s4, s0;
	s1 =	sshll.u32 s1, $0x11  }
0xd0: {  	s0 =	sor.u32 s1, s0  }
0xd1: {  	s0 =	sadd.s32 $0x8F2B, s0  }
0xd2: {  	[sflag:s0] =	ssyncadd.remote.s32 $0x1  }
0xd3: {  	_ =	sfence.sel $0xFFFF  }
0xd4: {  	[dreg:$0x0] =	wrdreg $0xFFFFFFFF;
	(pc) =	sbr.abs _section_cstart, $3  }
0xd5: {  	[dreg:$0x1] =	wrdreg $0xFFFFFFFF  }
0xd6: {  	_ =	task.clear_ibuf [dreg:s22], $0x2FFFF;
	_ =	strace $0x9FFFFFFF  }
0xd7: {  	(tm) =	ssettm $0x7FFFFFFF  }
tec
execute0_lowered:
.L_overlay_start_1:
0x0: {  	(tag) =	ssettag $0x1  }
0x1: {  	s0 =	rddreg [dreg:$0x0]  }
0x2: {  	s4 =	rddreg [dreg:$0x1];
	s1 =	simm.s32 $0x0  }
0x3: {  	s5 =	srdreg.scid;
	s2 =	stileid.u32;
	s11 =	simm.s32 $0x2000  }
0x4: {  	s15 =	simm.s32 $0x180;
	s16 =	simm.s32 $0x8000;
	s17 =	simm.s32 $0x1  }
0x5: {  	s18 =	simm.s32 $0x200;
	s19 =	simm.s32 $0xA000;
	s20 =	simm.s32 $0x280  }
0x6: {  	s21 =	simm.s32 $0xC000;
	s22 =	simm.s32 $0x300;
	s23 =	simm.s32 $0xE000  }
0x7: {  	s24 =	simm.s32 $0x380;
	s25 =	simm.s32 $0x2;
	s26 =	simm.s32 $0x0  }
0x8: {  	[smem:$0x7FF] =	sst s1;
	s3 =	sadd.s32 $0x1200, s0;
	s5 =	sand.u32 $0x1, s5  }
0x9: {  	s7 =	sshll.u32 s2, $0xE;
	s0 =	sadd.s32 $0x401200, s0;
	s30 =	sshll.u32 s2, $0x11  }
0xa: {  	_ =	strace $0x8000004A;
	s6 =	ssub.s32 $0x2, s5;
	s8 =	sshll.u32 s5, $0xD  }
0xb: {  	s10 =	sshll.u32 s5, $0x10;
	s9 =	sshrl.u32 s6, $0x1;
	s7 =	sor.u32 s8, s7  }
0xc: {  	s6 =	ssub.s32 s6, s9;
	s8 =	sshrl.u32 s7, $0x3;
	s7 =	sshll.u32 s7, $0x3  }
0xd: {  	s9 =	sadd.s32 s30, s0;
	s4 =	sadd.s32 s4, s8;
	s5 =	sadd.s32 s0, s7  }
0xe: {  	s31 =	sadd.s32 s10, s9;
	s6 =	smax.u32 s6, $0x1;
	s9 =	simm.s32 $0x3  }
0xf: {  	s10 =	simm.s32 $0x80;
	s7 =	sadd.s32 $0x1000, s5;
	s0 =	sadd.s32 $0x2000, s31  }
.LBB2_1:
0x10: {  	[tilespmem:s1], [sflag:$0x3] =	stream.linear.gather [hbm4b:s4+s1], $0x2000, $0x38;
	[tilespmem:$0x12000] =	vst v63  }
0x11: {  	_ =	swait.ge [sflag:s9], $0x2000  }
0x12: {  	[sflag:s9] =	ssyncset.done $0x0  }
0x13: {  	[sflag:s9] =	ssyncadd.s32 $0xFFFFE000  }
0x14: {  	[tilespmem:s11], [sflag:$0x1] =	stream.indirect.gather [hbm4b:s3+s10], $0x40, s1, s10, $0xb8;
	[tilespmem:$0x12000] =	vst v63  }
0x15: {  	s2 =	simm.s32 $0x4000  }
0x16: {  	[tilespmem:s2], [sflag:$0x1] =	stream.indirect.gather [hbm4b:s3+s10], $0x40, s10, s10, $0xb8;
	[tilespmem:$0x12000] =	vst v63  }
0x17: {  	s13 =	simm.s32 $0x100;
	s8 =	simm.s32 $0x6000  }
0x18: {  	[tilespmem:s8], [sflag:$0x1] =	stream.indirect.gather [hbm4b:s3+s10], $0x40, s13, s10, $0xb8;
	[tilespmem:$0x12000] =	vst v63  }
0x19: {  	_ = 	snop  }
0x1a: {  	[tilespmem:s16], [sflag:$0x1] =	stream.indirect.gather [hbm4b:s3+s10], $0x40, s15, s10, $0xb8;
	[tilespmem:$0x12000] =	vst v63  }
0x1b: {  	_ =	swait.ge [sflag:s17], $0x2000  }
0x1c: {  	[sflag:s17] =	ssyncset.done $0x0  }
0x1d: {  	[sflag:s17] =	ssyncadd.s32 $0xFFFFE000  }
0x1e: {  	_ =	swait.ge [sflag:s17], $0x2000  }
0x1f: {  	[sflag:s17] =	ssyncset.done $0x0  }
0x20: {  	[sflag:s17] =	ssyncadd.s32 $0xFFFFE000  }
0x21: {  	_ =	swait.ge [sflag:s17], $0x2000  }
0x22: {  	[sflag:s17] =	ssyncset.done $0x0  }
0x23: {  	[sflag:s17] =	ssyncadd.s32 $0xFFFFE000  }
0x24: {  	_ =	swait.ge [sflag:s17], $0x2000  }
0x25: {  	[sflag:s17] =	ssyncset.done $0x0  }
0x26: {  	[sflag:s17] =	ssyncadd.s32 $0xFFFFE000  }
0x27: {  	[hbm4b:s5+s1] =	stream.linear.scatter [tilespmem:s11], [sflag:$0x2], $0x8000, $0x38;
	[tilespmem:$0x12000] =	vst v63  }
0x28: {  	_ = 	snop  }
0x29: {  	[tilespmem:s19], [sflag:$0x1] =	stream.indirect.gather [hbm4b:s3+s10], $0x40, s18, s10, $0xb8;
	[tilespmem:$0x12000] =	vst v63  }
0x2a: {  	_ = 	snop  }
0x2b: {  	[tilespmem:s21], [sflag:$0x1] =	stream.indirect.gather [hbm4b:s3+s10], $0x40, s20, s10, $0xb8;
	[tilespmem:$0x12000] =	vst v63  }
0x2c: {  	_ = 	snop  }
0x2d: {  	[tilespmem:s23], [sflag:$0x1] =	stream.indirect.gather [hbm4b:s3+s10], $0x40, s22, s10, $0xb8;
	[tilespmem:$0x12000] =	vst v63  }
0x2e: {  	s14 =	simm.s32 $0x10000  }
0x2f: {  	[tilespmem:s14], [sflag:$0x1] =	stream.indirect.gather [hbm4b:s3+s10], $0x40, s24, s10, $0xb8;
	[tilespmem:$0x12000] =	vst v63  }
0x30: {  	_ =	swait.ge [sflag:s17], $0x2000  }
0x31: {  	[sflag:s17] =	ssyncset.done $0x0  }
0x32: {  	[sflag:s17] =	ssyncadd.s32 $0xFFFFE000  }
0x33: {  	_ =	swait.ge [sflag:s17], $0x2000  }
0x34: {  	[sflag:s17] =	ssyncset.done $0x0  }
0x35: {  	[sflag:s17] =	ssyncadd.s32 $0xFFFFE000  }
0x36: {  	_ =	swait.ge [sflag:s17], $0x2000  }
0x37: {  	[sflag:s17] =	ssyncset.done $0x0  }
0x38: {  	[sflag:s17] =	ssyncadd.s32 $0xFFFFE000  }
0x39: {  	_ =	swait.ge [sflag:s17], $0x2000  }
0x3a: {  	[sflag:s17] =	ssyncset.done $0x0  }
0x3b: {  	[sflag:s17] =	ssyncadd.s32 $0xFFFFE000  }
0x3c: {  	[hbm4b:s7+s1] =	stream.linear.scatter [tilespmem:s19], [sflag:$0x2], $0x8000, $0x38;
	[tilespmem:$0x12000] =	vst v63  }
0x3d: {  	_ =	swait.ge [sflag:s25], $0x8000  }
0x3e: {  	s8 =	sand.u32 $0x8000, s14;
	[sflag:s25] =	ssyncset.done $0x0  }
0x3f: {  	s29 =	simm.s32 $0x400;
	s28 =	sor.u32 $0x2000, s8;
	[sflag:s25] =	ssyncadd.s32 $0xFFFF8000  }
0x40: {  	[tilespmem:s28], [sflag:$0x1] =	stream.indirect.gather [hbm4b:s3+s10], $0x40, s29, s10, $0xb8;
	[tilespmem:$0x12000] =	vst v63  }
0x41: {  	s30 =	simm.s32 $0x480;
	s29 =	sor.u32 $0x4000, s8  }
0x42: {  	[tilespmem:s29], [sflag:$0x1] =	stream.indirect.gather [hbm4b:s3+s10], $0x40, s30, s10, $0xb8;
	[tilespmem:$0x12000] =	vst v63  }
0x43: {  	s29 =	sor.u32 $0x6000, s8;
	s30 =	simm.s32 $0x500  }
0x44: {  	[tilespmem:s29], [sflag:$0x1] =	stream.indirect.gather [hbm4b:s3+s10], $0x40, s30, s10, $0xb8;
	[tilespmem:$0x12000] =	vst v63  }
0x45: {  	s8 =	sadd.s32 $0x8000, s8;
	s29 =	simm.s32 $0x580  }
0x46: {  	[tilespmem:s8], [sflag:$0x1] =	stream.indirect.gather [hbm4b:s3+s10], $0x40, s29, s10, $0xb8;
	[tilespmem:$0x12000] =	vst v63  }
0x47: {  	_ =	swait.ge [sflag:s17], $0x2000  }
0x48: {  	[sflag:s17] =	ssyncset.done $0x0  }
0x49: {  	[sflag:s17] =	ssyncadd.s32 $0xFFFFE000  }
0x4a: {  	_ =	swait.ge [sflag:s17], $0x2000  }
0x4b: {  	[sflag:s17] =	ssyncset.done $0x0  }
0x4c: {  	[sflag:s17] =	ssyncadd.s32 $0xFFFFE000  }
0x4d: {  	_ =	swait.ge [sflag:s17], $0x2000  }
0x4e: {  	[sflag:s17] =	ssyncset.done $0x0  }
0x4f: {  	[sflag:s17] =	ssyncadd.s32 $0xFFFFE000  }
0x50: {  	_ =	swait.ge [sflag:s17], $0x2000  }
0x51: {  	s31 =	simm.s32 $0x18000;
	s30 =	sadd.s32 $0x1000, s0;
	[sflag:s17] =	ssyncset.done $0x0  }
0x52: {  	s29 =	simm.s32 $0x800;
	s8 =	smov.u32 s0;
	[sflag:s17] =	ssyncadd.s32 $0xFFFFE000  }
.LBB2_2:
0x53: {  	[hbm4b:s8+s1] =	stream.linear.scatter [tilespmem:s28], [sflag:$0x2], $0x8000, $0x38;
	[tilespmem:$0x12000] =	vst v63  }
0x54: {  	s28 =	smov.u32 s29;
	s8 =	smov.u32 s30  }
0x55: {  	p0 =	sne.s32 s29, $0x6800;
	s29 =	sadd.s32 $0x800, s29;
	_ =	swait.ge [sflag:s25], $0x8000  }
0x56: {  	s2 =	sand.u32 $0x8000, s31;
	s12 =	sshra.s32 s28, $0x2;
	[sflag:s25] =	ssyncset.done $0x0  }
0x57: {  	s28 =	sor.u32 $0x2000, s2;
	s13 =	sadd.s32 $0x400, s12;
	[sflag:s25] =	ssyncadd.s32 $0xFFFF8000  }
0x58: {  	[tilespmem:s28], [sflag:$0x1] =	stream.indirect.gather [hbm4b:s3+s10], $0x40, s13, s10, $0xb8;
	[tilespmem:$0x12000] =	vst v63  }
0x59: {  	s14 =	sadd.s32 $0x480, s12;
	s13 =	sor.u32 $0x4000, s2  }
0x5a: {  	[tilespmem:s13], [sflag:$0x1] =	stream.indirect.gather [hbm4b:s3+s10], $0x40, s14, s10, $0xb8;
	[tilespmem:$0x12000] =	vst v63  }
0x5b: {  	s13 =	sor.u32 $0x6000, s2;
	s14 =	sadd.s32 $0x500, s12  }
0x5c: {  	[tilespmem:s13], [sflag:$0x1] =	stream.indirect.gather [hbm4b:s3+s10], $0x40, s14, s10, $0xb8;
	[tilespmem:$0x12000] =	vst v63  }
0x5d: {  	s2 =	sadd.s32 $0x8000, s2;
	s12 =	sadd.s32 $0x580, s12  }
0x5e: {  	[tilespmem:s2], [sflag:$0x1] =	stream.indirect.gather [hbm4b:s3+s10], $0x40, s12, s10, $0xb8;
	[tilespmem:$0x12000] =	vst v63  }
0x5f: {  	_ =	swait.ge [sflag:s17], $0x2000  }
0x60: {  	[sflag:s17] =	ssyncset.done $0x0  }
0x61: {  	[sflag:s17] =	ssyncadd.s32 $0xFFFFE000  }
0x62: {  	_ =	swait.ge [sflag:s17], $0x2000  }
0x63: {  	[sflag:s17] =	ssyncset.done $0x0  }
0x64: {  	[sflag:s17] =	ssyncadd.s32 $0xFFFFE000  }
0x65: {  	_ =	swait.ge [sflag:s17], $0x2000  }
.Ltmp0:
0x66: {  	[sflag:s17] =	ssyncset.done $0x0;
	(pc) =	sbr.rel @p0 .LBB2_2-.Ltmp0, $4  }
0x67: {  	[sflag:s17] =	ssyncadd.s32 $0xFFFFE000  }
0x68: {  	_ =	swait.ge [sflag:s17], $0x2000  }
0x69: {  	[sflag:s17] =	ssyncset.done $0x0  }
0x6a: {  	s30 =	sadd.s32 $0x1000, s30;
	s31 =	sadd.s32 $0x8000, s31;
	[sflag:s17] =	ssyncadd.s32 $0xFFFFE000  }
0x6b: {  	[hbm4b:s8+s1] =	stream.linear.scatter [tilespmem:s28], [sflag:$0x2], $0x8000, $0x38;
	[tilespmem:$0x12000] =	vst v63  }
0x6c: {  	s26 =	sadd.s32 $0x1, s26  }
0x6d: {  	_ =	swait.ge [sflag:s25], $0x8000;
	p0 =	sne.s32 s26, s6  }
.Ltmp1:
0x6e: {  	[sflag:s25] =	ssyncset.done $0x0;
	(pc) =	sbr.rel @p0 .LBB2_1-.Ltmp1, $4  }
0x6f: {  	[sflag:s25] =	ssyncadd.s32 $0xFFFF8000  }
0x70: {  	_ =	swait.ge [sflag:s25], $0x8000  }
0x71: {  	[sflag:s25] =	ssyncset.done $0x0  }
0x72: {  	[sflag:s25] =	ssyncadd.s32 $0xFFFF8000  }
0x73: {  	_ =	sfence.sel $0x180000  }
0x74: {  	[bflag:$0x0] =	sbarrier.arrive $0xFFFF  }
0x75: {  	_ =	strace $0x9000004A  }
0x76: {  	s0 =	stileid.u32;
	[bflag:$0x2] =	sbarrier.arrive $0xFFFF  }
0x77: {  	p0 =	sne.s32 s0, $0x0;
	s0 =	rddreg [dreg:$0x2]  }
0x78: {  	s0 =	sadd.s32 @!p0 $0x100000, s0  }
0x79: {  	[sflag:s0] =	ssyncadd.tile.s32 @!p0 $0x1;
	_ =	shalt  }
.Lfunc_end2:
_tile_overlayer_lowered:
.L_overlay_start_2:
0x7a: {  	(tag) =	ssettag $0x2  }
0x7b: {  	s0 =	rddreg [dreg:$0x0];
	s2 =	stileid.u32  }
0x7c: {  	s1 =	rddreg [dreg:$0x1];
	p0 =	sne.s32 s2, $0x0  }
0x7d: {  	s3 =	rddreg [dreg:$0x2];
	[bflag:$0x3] =	sbarrier.arrive $0xFFFF;
	s2 =	simm.s32 @!p0 $0x1C03  }
0x7e: {  	[timem:s3], [sflag:s2] =	dma.local @!p0 [hbm:s0], s1  }
0x7f: {  	s0 =	simm.s32 @!p0 $0x3  }
0x80: {  	_ =	swait.ge @!p0 [sflag:s0], s1  }
0x81: {  	s1 =	ssub.s32 @!p0 $0x0, s1;
	[sflag:s0] =	ssyncset.done @!p0 $0x0  }
0x82: {  	[sflag:s0] =	ssyncadd.s32 @!p0 s1  }
0x83: {  	[bflag:$0x3] =	sbarrier.arrive $0xFFFF  }
0x84: {  	_ =	shalt  }

</sc_bundles>
